<compile_context>
chip_gen: v7x
topology: tpu7x:2x2x1
jax: 0.10.2.dev20260603
libtpu: 0.0.44.dev20260713+nightly
codegen_flags: <defaults>
</compile_context>

<pallas_src>
import functools

import jax
import jax.numpy as jnp
from jax import lax
from jax.experimental import pallas as pl
from jax.experimental.pallas import tpu as pltpu
from jax.experimental.pallas import tpu_sc as plsc

B = 16384
D = 64
NC = 2
NS = 16
NW = NC * NS
BPW = B // NW
CHUNK = 128
NCH = BPW // CHUNK


def _sc_gather_body(idx0, idx1, idx2, idx3, idx4, idx5,
                    author_t, doc_t, venue_t, affil_t,
                    out0, out1, out2, out3, out4, out5,
                    idx_v, rows_v, sem):
    wid = lax.axis_index("s") * NC + lax.axis_index("c")
    row0 = wid * NCH

    jobs = ((idx0, author_t, out0),
            (idx1, doc_t, out1),
            (idx2, doc_t, out2),
            (idx3, author_t, out3),
            (idx4, venue_t, out4),
            (idx5, affil_t, out5))

    for idx_hbm, table_hbm, out_hbm in jobs:
        pltpu.sync_copy(idx_hbm.at[pl.ds(row0, NCH)], idx_v)
        descs = []
        for j in range(NCH):
            descs.append(pltpu.async_copy(
                table_hbm.at[idx_v.at[j]],
                rows_v.at[pl.ds(j * CHUNK, CHUNK)],
                sem))
        for dsc in descs:
            dsc.wait()
        pltpu.sync_copy(rows_v, out_hbm.at[pl.ds(wid * BPW, BPW)])


@functools.cache
def _make_sc_gather():
    return pl.kernel(
        _sc_gather_body,
        mesh=plsc.VectorSubcoreMesh(core_axis_name="c", subcore_axis_name="s"),
        out_type=[jax.ShapeDtypeStruct((B, D), jnp.float32)] * 6,
        scratch_types=[
            pltpu.VMEM((NCH, CHUNK), jnp.int32),
            pltpu.VMEM((BPW, D), jnp.float32),
            pltpu.SemaphoreType.DMA,
        ],
        compiler_params=pltpu.CompilerParams(use_tc_tiling_on_sc=False),
    )


_TC_BLOCK = 2048


def _tc_bcast_body(relT_ref, o0, o1, o2, o3, o4):
    relT = relT_ref[...]
    for k, o in enumerate((o0, o1, o2, o3, o4)):
        o[...] = jnp.broadcast_to(relT[:, k:k + 1], (D, _TC_BLOCK))


def _tc_bcast(relation_table):
    relT = jnp.zeros((D, 8), jnp.float32).at[:, :5].set(relation_table.T)
    return pl.pallas_call(
        _tc_bcast_body,
        grid=(B // _TC_BLOCK,),
        in_specs=[pl.BlockSpec((D, 8), lambda i: (0, 0))],
        out_specs=[pl.BlockSpec((D, _TC_BLOCK), lambda i: (0, i))] * 5,
        out_shape=[jax.ShapeDtypeStruct((D, B), jnp.float32)] * 5,
    )(relT)


def kernel(user_id, wrote, cited, coauthor, venue, affiliation,
           author_table, venue_table, affiliation_table, relation_table,
           doc_embs):
    def prep(ix):
        return ix.astype(jnp.int32).reshape(B // CHUNK, CHUNK)

    outs = _make_sc_gather()(
        prep(user_id), prep(wrote), prep(cited), prep(coauthor),
        prep(venue), prep(affiliation),
        author_table, doc_embs, venue_table, affiliation_table)
    user_e, wrote_e, cited_e, coauthor_e, venue_e, affil_e = outs
    wrote_r, cited_r, coauth_r, venue_r, affil_r = (
        o.T for o in _tc_bcast(relation_table))
    return (user_e, wrote_e, cited_e, coauthor_e, venue_e, affil_e,
            wrote_r, cited_r, coauth_r, venue_r, affil_r)

# --- scband reference (transcript-rebuilt; emitter-appended) ---
"""Pipeline reference for scband-graph-trans-h-17987323036332 (READ-ONLY COPY).

The authoritative reference and input builder live on the scoring server;
editing this copy changes nothing except your own understanding.
"""

import jax, jax.numpy as jnp
import numpy as np

B = 16384
D = 64
N_AUTH = 1_000_000
N_DOC = 1_000_000
N_VEN = 100_000
N_AFF = 100_000
N_REL = 5


def setup_inputs(seed: int = 0) -> dict:
    key = jax.random.key(seed)
    ks = jax.random.split(key, 11)
    user_id = jax.random.randint(ks[0], (B,), 0, N_AUTH)
    wrote = jax.random.randint(ks[1], (B,), 0, N_DOC)
    cited = jax.random.randint(ks[2], (B,), 0, N_DOC)
    coauthor = jax.random.randint(ks[3], (B,), 0, N_AUTH)
    venue = jax.random.randint(ks[4], (B,), 0, N_VEN)
    affiliation = jax.random.randint(ks[5], (B,), 0, N_AFF)
    scale = float(np.sqrt(6.0 / (N_AUTH + D)))  # xavier_uniform-like scale (approx)
    author_table = jax.random.uniform(ks[6], (N_AUTH, D), jnp.float32, -scale, scale)
    venue_table = jax.random.uniform(ks[7], (N_VEN, D), jnp.float32, -scale, scale)
    venue_table = venue_table.at[0].set(0.0)  # padding_idx=0
    affiliation_table = jax.random.uniform(ks[8], (N_AFF, D), jnp.float32, -scale, scale)
    affiliation_table = affiliation_table.at[0].set(0.0)  # padding_idx=0
    relation_table = jax.random.uniform(ks[9], (N_REL, D), jnp.float32, -scale, scale)
    doc_embs = jax.random.normal(ks[10], (N_DOC, D), jnp.float32)
    return {
        "user_id": user_id,
        "wrote": wrote,
        "cited": cited,
        "coauthor": coauthor,
        "venue": venue,
        "affiliation": affiliation,
        "author_table": author_table,
        "venue_table": venue_table,
        "affiliation_table": affiliation_table,
        "relation_table": relation_table,
        "doc_embs": doc_embs,
    }


def reference(user_id, wrote, cited, coauthor, venue, affiliation,
              author_table, venue_table, affiliation_table, relation_table, doc_embs):
    # mode='transe', normalize=False -> pure embedding gathers + relation broadcast
    user_embs = jnp.take(author_table, user_id, axis=0)
    wrote_embs = jnp.take(doc_embs, wrote, axis=0)
    cited_embs = jnp.take(doc_embs, cited, axis=0)
    coauthor_embs = jnp.take(author_table, coauthor, axis=0)
    venue_embs = jnp.take(venue_table, venue, axis=0)
    affiliation_embs = jnp.take(affiliation_table, affiliation, axis=0)
    wrote_rel = jnp.broadcast_to(relation_table[0][None, :], wrote_embs.shape)
    cited_rel = jnp.broadcast_to(relation_table[1][None, :], cited_embs.shape)
    co_author_rel = jnp.broadcast_to(relation_table[2][None, :], coauthor_embs.shape)
    venue_rel = jnp.broadcast_to(relation_table[3][None, :], venue_embs.shape)
    affiliation_rel = jnp.broadcast_to(relation_table[4][None, :], affiliation_embs.shape)
    return (user_embs, wrote_embs, cited_embs, coauthor_embs, venue_embs,
            affiliation_embs, wrote_rel, cited_rel, co_author_rel, venue_rel,
            affiliation_rel)

if __name__ == "__main__":
    import jax
    _d = setup_inputs()
    print(jax.jit(kernel)(*tuple(_d.values())))

</pallas_src>

<mosaic_0001>
#map = affine_map<(d0, d1) -> (0, 0)>
module attributes {stable_mosaic.version = 14 : i64} {
  func.func @_sc_gather_body(%arg0: i32, %arg1: i32, %arg2: memref<128x128xi32, #tpu.memory_space<hbm>>, %arg3: memref<128x128xi32, #tpu.memory_space<hbm>>, %arg4: memref<128x128xi32, #tpu.memory_space<hbm>>, %arg5: memref<128x128xi32, #tpu.memory_space<hbm>>, %arg6: memref<128x128xi32, #tpu.memory_space<hbm>>, %arg7: memref<128x128xi32, #tpu.memory_space<hbm>>, %arg8: memref<1000000x64xf32, #tpu.memory_space<hbm>>, %arg9: memref<1000000x64xf32, #tpu.memory_space<hbm>>, %arg10: memref<100000x64xf32, #tpu.memory_space<hbm>>, %arg11: memref<100000x64xf32, #tpu.memory_space<hbm>>, %arg12: memref<16384x64xf32, #tpu.memory_space<hbm>>, %arg13: memref<16384x64xf32, #tpu.memory_space<hbm>>, %arg14: memref<16384x64xf32, #tpu.memory_space<hbm>>, %arg15: memref<16384x64xf32, #tpu.memory_space<hbm>>, %arg16: memref<16384x64xf32, #tpu.memory_space<hbm>>, %arg17: memref<16384x64xf32, #tpu.memory_space<hbm>>, %arg18: memref<4x128xi32, #tpu.memory_space<vmem>>, %arg19: memref<512x64xf32, #tpu.memory_space<vmem>>, %arg20: memref<!tpu.dma_semaphore, #tpu.memory_space<semaphore_mem>>) attributes {dimension_semantics = [#tpu.dimension_semantics<core_parallel>, #tpu.dimension_semantics<subcore_parallel>], iteration_bounds = array<i64: 2, 16>, scalar_prefetch = 0 : i64, scratch_operands = 3 : i64, tpu.core_type = #tpu.core_type<sc_vector_subcore>, window_params = [{transform_indices = #map}, {transform_indices = #map}, {transform_indices = #map}, {transform_indices = #map}, {transform_indices = #map}, {transform_indices = #map}, {transform_indices = #map}, {transform_indices = #map}, {transform_indices = #map}, {transform_indices = #map}, {transform_indices = #map}, {transform_indices = #map}, {transform_indices = #map}, {transform_indices = #map}, {transform_indices = #map}, {transform_indices = #map}]} {
    %mul3A = arith.constant 2 : i32
    %mul3A_0 = arith.muli %arg1, %mul3A : i32
    %add3A = arith.addi %mul3A_0, %arg0 : i32
    %mul3A_1 = arith.constant 4 : i32
    %mul3A_2 = arith.muli %add3A, %mul3A_1 : i32
    "tpu.region"() ({
      %run_scoped3A = tpu.sem_alloc : memref<!tpu.dma_semaphore, #tpu.memory_space<semaphore_mem>>
      %dma_start3A_493 = arith.constant 0 : i32
      %dma_start3A_494 = tpu.memref_slice %arg2[%mul3A_2, %dma_start3A_493] : memref<128x128xi32, #tpu.memory_space<hbm>> -> memref<4x128xi32, #tpu.memory_space<hbm>>
      %dma_start3A_495 = arith.constant 0 : i32
      %dma_start3A_496 = tpu.memref_slice %arg2[%mul3A_2, %dma_start3A_495] : memref<128x128xi32, #tpu.memory_space<hbm>> -> memref<4x128xi32, #tpu.memory_space<hbm>>
      tpu.enqueue_dma source(%dma_start3A_496 : memref<4x128xi32, #tpu.memory_space<hbm>>) target(%arg18 : memref<4x128xi32, #tpu.memory_space<vmem>>) target_semaphore(%run_scoped3A : memref<!tpu.dma_semaphore, #tpu.memory_space<semaphore_mem>>)
      %dma_wait3A_497 = arith.constant 0 : i32
      %dma_wait3A_498 = tpu.memref_slice %arg2[%mul3A_2, %dma_wait3A_497] : memref<128x128xi32, #tpu.memory_space<hbm>> -> memref<4x128xi32, #tpu.memory_space<hbm>>
      %dma_wait3A_499 = arith.constant 0 : i32
      %dma_wait3A_500 = tpu.memref_slice %arg2[%mul3A_2, %dma_wait3A_499] : memref<128x128xi32, #tpu.memory_space<hbm>> -> memref<4x128xi32, #tpu.memory_space<hbm>>
      tpu.wait_dma2 semaphore(%run_scoped3A : memref<!tpu.dma_semaphore, #tpu.memory_space<semaphore_mem>>) src(%dma_wait3A_500 : memref<4x128xi32, #tpu.memory_space<hbm>>) dst(%arg18 : memref<4x128xi32, #tpu.memory_space<vmem>>)
      tpu.yield
    }) : () -> ()
    %dma_start3A = arith.constant 0 : i32
    %dma_start3A_3 = arith.constant 0 : i32
    %dma_start3A_4 = arith.constant 0 : i32
    %dma_start3A_5 = tpu.memref_slice %arg19[%dma_start3A_3, %dma_start3A_4] : memref<512x64xf32, #tpu.memory_space<vmem>> -> memref<128x64xf32, #tpu.memory_space<vmem>>
    %dma_start3A_6 = arith.constant 0 : i32
    %dma_start3A_7 = tpu.memref_slice %arg18[%dma_start3A, %dma_start3A_6] : memref<4x128xi32, #tpu.memory_space<vmem>> -> memref<1x128xi32, #tpu.memory_space<vmem>>
    %dma_start3A_8 = tpu.memref_squeeze %dma_start3A_7 : memref<1x128xi32, #tpu.memory_space<vmem>> -> memref<128xi32, #tpu.memory_space<vmem>>
    %dma_start3A_9 = arith.constant 0 : i32
    %dma_start3A_10 = arith.constant 0 : i32
    %dma_start3A_11 = tpu.memref_slice %arg8[%dma_start3A_9, %dma_start3A_10] : memref<1000000x64xf32, #tpu.memory_space<hbm>> -> memref<1000000x64xf32, #tpu.memory_space<hbm>>
    tpu.enqueue_indirect_dma source(%dma_start3A_11 : memref<1000000x64xf32, #tpu.memory_space<hbm>>) target(%dma_start3A_5 : memref<128x64xf32, #tpu.memory_space<vmem>>) offsets(%dma_start3A_8 : memref<128xi32, #tpu.memory_space<vmem>>) semaphore(%arg20 : memref<!tpu.dma_semaphore, #tpu.memory_space<semaphore_mem>>)
    %dma_start3A_12 = arith.constant 1 : i32
    %dma_start3A_13 = arith.constant 128 : i32
    %dma_start3A_14 = arith.constant 0 : i32
    %dma_start3A_15 = tpu.memref_slice %arg19[%dma_start3A_13, %dma_start3A_14] : memref<512x64xf32, #tpu.memory_space<vmem>> -> memref<128x64xf32, #tpu.memory_space<vmem>>
    %dma_start3A_16 = arith.constant 0 : i32
    %dma_start3A_17 = tpu.memref_slice %arg18[%dma_start3A_12, %dma_start3A_16] : memref<4x128xi32, #tpu.memory_space<vmem>> -> memref<1x128xi32, #tpu.memory_space<vmem>>
    %dma_start3A_18 = tpu.memref_squeeze %dma_start3A_17 : memref<1x128xi32, #tpu.memory_space<vmem>> -> memref<128xi32, #tpu.memory_space<vmem>>
    %dma_start3A_19 = arith.constant 0 : i32
    %dma_start3A_20 = arith.constant 0 : i32
    %dma_start3A_21 = tpu.memref_slice %arg8[%dma_start3A_19, %dma_start3A_20] : memref<1000000x64xf32, #tpu.memory_space<hbm>> -> memref<1000000x64xf32, #tpu.memory_space<hbm>>
    tpu.enqueue_indirect_dma source(%dma_start3A_21 : memref<1000000x64xf32, #tpu.memory_space<hbm>>) target(%dma_start3A_15 : memref<128x64xf32, #tpu.memory_space<vmem>>) offsets(%dma_start3A_18 : memref<128xi32, #tpu.memory_space<vmem>>) semaphore(%arg20 : memref<!tpu.dma_semaphore, #tpu.memory_space<semaphore_mem>>)
    %dma_start3A_22 = arith.constant 2 : i32
    %dma_start3A_23 = arith.constant 256 : i32
    %dma_start3A_24 = arith.constant 0 : i32
    %dma_start3A_25 = tpu.memref_slice %arg19[%dma_start3A_23, %dma_start3A_24] : memref<512x64xf32, #tpu.memory_space<vmem>> -> memref<128x64xf32, #tpu.memory_space<vmem>>
    %dma_start3A_26 = arith.constant 0 : i32
    %dma_start3A_27 = tpu.memref_slice %arg18[%dma_start3A_22, %dma_start3A_26] : memref<4x128xi32, #tpu.memory_space<vmem>> -> memref<1x128xi32, #tpu.memory_space<vmem>>
    %dma_start3A_28 = tpu.memref_squeeze %dma_start3A_27 : memref<1x128xi32, #tpu.memory_space<vmem>> -> memref<128xi32, #tpu.memory_space<vmem>>
    %dma_start3A_29 = arith.constant 0 : i32
    %dma_start3A_30 = arith.constant 0 : i32
    %dma_start3A_31 = tpu.memref_slice %arg8[%dma_start3A_29, %dma_start3A_30] : memref<1000000x64xf32, #tpu.memory_space<hbm>> -> memref<1000000x64xf32, #tpu.memory_space<hbm>>
    tpu.enqueue_indirect_dma source(%dma_start3A_31 : memref<1000000x64xf32, #tpu.memory_space<hbm>>) target(%dma_start3A_25 : memref<128x64xf32, #tpu.memory_space<vmem>>) offsets(%dma_start3A_28 : memref<128xi32, #tpu.memory_space<vmem>>) semaphore(%arg20 : memref<!tpu.dma_semaphore, #tpu.memory_space<semaphore_mem>>)
    %dma_start3A_32 = arith.constant 3 : i32
    %dma_start3A_33 = arith.constant 384 : i32
    %dma_start3A_34 = arith.constant 0 : i32
    %dma_start3A_35 = tpu.memref_slice %arg19[%dma_start3A_33, %dma_start3A_34] : memref<512x64xf32, #tpu.memory_space<vmem>> -> memref<128x64xf32, #tpu.memory_space<vmem>>
    %dma_start3A_36 = arith.constant 0 : i32
    %dma_start3A_37 = tpu.memref_slice %arg18[%dma_start3A_32, %dma_start3A_36] : memref<4x128xi32, #tpu.memory_space<vmem>> -> memref<1x128xi32, #tpu.memory_space<vmem>>
    %dma_start3A_38 = tpu.memref_squeeze %dma_start3A_37 : memref<1x128xi32, #tpu.memory_space<vmem>> -> memref<128xi32, #tpu.memory_space<vmem>>
    %dma_start3A_39 = arith.constant 0 : i32
    %dma_start3A_40 = arith.constant 0 : i32
    %dma_start3A_41 = tpu.memref_slice %arg8[%dma_start3A_39, %dma_start3A_40] : memref<1000000x64xf32, #tpu.memory_space<hbm>> -> memref<1000000x64xf32, #tpu.memory_space<hbm>>
    tpu.enqueue_indirect_dma source(%dma_start3A_41 : memref<1000000x64xf32, #tpu.memory_space<hbm>>) target(%dma_start3A_35 : memref<128x64xf32, #tpu.memory_space<vmem>>) offsets(%dma_start3A_38 : memref<128xi32, #tpu.memory_space<vmem>>) semaphore(%arg20 : memref<!tpu.dma_semaphore, #tpu.memory_space<semaphore_mem>>)
    %dma_wait3A = arith.constant 0 : i32
    %dma_wait3A_42 = arith.constant 0 : i32
    %dma_wait3A_43 = arith.constant 0 : i32
    %dma_wait3A_44 = tpu.memref_slice %arg19[%dma_wait3A_42, %dma_wait3A_43] : memref<512x64xf32, #tpu.memory_space<vmem>> -> memref<128x64xf32, #tpu.memory_space<vmem>>
    %dma_wait3A_45 = arith.constant 0 : i32
    %dma_wait3A_46 = tpu.memref_slice %arg18[%dma_wait3A, %dma_wait3A_45] : memref<4x128xi32, #tpu.memory_space<vmem>> -> memref<1x128xi32, #tpu.memory_space<vmem>>
    %dma_wait3A_47 = tpu.memref_squeeze %dma_wait3A_46 : memref<1x128xi32, #tpu.memory_space<vmem>> -> memref<128xi32, #tpu.memory_space<vmem>>
    %dma_wait3A_48 = arith.constant 0 : i32
    %dma_wait3A_49 = arith.constant 0 : i32
    %dma_wait3A_50 = tpu.memref_slice %arg8[%dma_wait3A_48, %dma_wait3A_49] : memref<1000000x64xf32, #tpu.memory_space<hbm>> -> memref<1000000x64xf32, #tpu.memory_space<hbm>>
    tpu.wait_indirect_dma semaphore(%arg20 : memref<!tpu.dma_semaphore, #tpu.memory_space<semaphore_mem>>) src(%dma_wait3A_50 : memref<1000000x64xf32, #tpu.memory_space<hbm>>) dst(%dma_wait3A_44 : memref<128x64xf32, #tpu.memory_space<vmem>>)
    %dma_wait3A_51 = arith.constant 1 : i32
    %dma_wait3A_52 = arith.constant 128 : i32
    %dma_wait3A_53 = arith.constant 0 : i32
    %dma_wait3A_54 = tpu.memref_slice %arg19[%dma_wait3A_52, %dma_wait3A_53] : memref<512x64xf32, #tpu.memory_space<vmem>> -> memref<128x64xf32, #tpu.memory_space<vmem>>
    %dma_wait3A_55 = arith.constant 0 : i32
    %dma_wait3A_56 = tpu.memref_slice %arg18[%dma_wait3A_51, %dma_wait3A_55] : memref<4x128xi32, #tpu.memory_space<vmem>> -> memref<1x128xi32, #tpu.memory_space<vmem>>
    %dma_wait3A_57 = tpu.memref_squeeze %dma_wait3A_56 : memref<1x128xi32, #tpu.memory_space<vmem>> -> memref<128xi32, #tpu.memory_space<vmem>>
    %dma_wait3A_58 = arith.constant 0 : i32
    %dma_wait3A_59 = arith.constant 0 : i32
    %dma_wait3A_60 = tpu.memref_slice %arg8[%dma_wait3A_58, %dma_wait3A_59] : memref<1000000x64xf32, #tpu.memory_space<hbm>> -> memref<1000000x64xf32, #tpu.memory_space<hbm>>
    tpu.wait_indirect_dma semaphore(%arg20 : memref<!tpu.dma_semaphore, #tpu.memory_space<semaphore_mem>>) src(%dma_wait3A_60 : memref<1000000x64xf32, #tpu.memory_space<hbm>>) dst(%dma_wait3A_54 : memref<128x64xf32, #tpu.memory_space<vmem>>)
    %dma_wait3A_61 = arith.constant 2 : i32
    %dma_wait3A_62 = arith.constant 256 : i32
    %dma_wait3A_63 = arith.constant 0 : i32
    %dma_wait3A_64 = tpu.memref_slice %arg19[%dma_wait3A_62, %dma_wait3A_63] : memref<512x64xf32, #tpu.memory_space<vmem>> -> memref<128x64xf32, #tpu.memory_space<vmem>>
    %dma_wait3A_65 = arith.constant 0 : i32
    %dma_wait3A_66 = tpu.memref_slice %arg18[%dma_wait3A_61, %dma_wait3A_65] : memref<4x128xi32, #tpu.memory_space<vmem>> -> memref<1x128xi32, #tpu.memory_space<vmem>>
    %dma_wait3A_67 = tpu.memref_squeeze %dma_wait3A_66 : memref<1x128xi32, #tpu.memory_space<vmem>> -> memref<128xi32, #tpu.memory_space<vmem>>
    %dma_wait3A_68 = arith.constant 0 : i32
    %dma_wait3A_69 = arith.constant 0 : i32
    %dma_wait3A_70 = tpu.memref_slice %arg8[%dma_wait3A_68, %dma_wait3A_69] : memref<1000000x64xf32, #tpu.memory_space<hbm>> -> memref<1000000x64xf32, #tpu.memory_space<hbm>>
    tpu.wait_indirect_dma semaphore(%arg20 : memref<!tpu.dma_semaphore, #tpu.memory_space<semaphore_mem>>) src(%dma_wait3A_70 : memref<1000000x64xf32, #tpu.memory_space<hbm>>) dst(%dma_wait3A_64 : memref<128x64xf32, #tpu.memory_space<vmem>>)
    %dma_wait3A_71 = arith.constant 3 : i32
    %dma_wait3A_72 = arith.constant 384 : i32
    %dma_wait3A_73 = arith.constant 0 : i32
    %dma_wait3A_74 = tpu.memref_slice %arg19[%dma_wait3A_72, %dma_wait3A_73] : memref<512x64xf32, #tpu.memory_space<vmem>> -> memref<128x64xf32, #tpu.memory_space<vmem>>
    %dma_wait3A_75 = arith.constant 0 : i32
    %dma_wait3A_76 = tpu.memref_slice %arg18[%dma_wait3A_71, %dma_wait3A_75] : memref<4x128xi32, #tpu.memory_space<vmem>> -> memref<1x128xi32, #tpu.memory_space<vmem>>
    %dma_wait3A_77 = tpu.memref_squeeze %dma_wait3A_76 : memref<1x128xi32, #tpu.memory_space<vmem>> -> memref<128xi32, #tpu.memory_space<vmem>>
    %dma_wait3A_78 = arith.constant 0 : i32
    %dma_wait3A_79 = arith.constant 0 : i32
    %dma_wait3A_80 = tpu.memref_slice %arg8[%dma_wait3A_78, %dma_wait3A_79] : memref<1000000x64xf32, #tpu.memory_space<hbm>> -> memref<1000000x64xf32, #tpu.memory_space<hbm>>
    tpu.wait_indirect_dma semaphore(%arg20 : memref<!tpu.dma_semaphore, #tpu.memory_space<semaphore_mem>>) src(%dma_wait3A_80 : memref<1000000x64xf32, #tpu.memory_space<hbm>>) dst(%dma_wait3A_74 : memref<128x64xf32, #tpu.memory_space<vmem>>)
    %mul3A_81 = arith.constant 512 : i32
    %mul3A_82 = arith.muli %add3A, %mul3A_81 : i32
    "tpu.region"() ({
      %run_scoped3A = tpu.sem_alloc : memref<!tpu.dma_semaphore, #tpu.memory_space<semaphore_mem>>
      %dma_start3A_493 = arith.constant 0 : i32
      %dma_start3A_494 = tpu.memref_slice %arg12[%mul3A_82, %dma_start3A_493] : memref<16384x64xf32, #tpu.memory_space<hbm>> -> memref<512x64xf32, #tpu.memory_space<hbm>>
      %dma_start3A_495 = arith.constant 0 : i32
      %dma_start3A_496 = tpu.memref_slice %arg12[%mul3A_82, %dma_start3A_495] : memref<16384x64xf32, #tpu.memory_space<hbm>> -> memref<512x64xf32, #tpu.memory_space<hbm>>
      tpu.enqueue_dma source(%arg19 : memref<512x64xf32, #tpu.memory_space<vmem>>) target(%dma_start3A_496 : memref<512x64xf32, #tpu.memory_space<hbm>>) target_semaphore(%run_scoped3A : memref<!tpu.dma_semaphore, #tpu.memory_space<semaphore_mem>>)
      %dma_wait3A_497 = arith.constant 0 : i32
      %dma_wait3A_498 = tpu.memref_slice %arg12[%mul3A_82, %dma_wait3A_497] : memref<16384x64xf32, #tpu.memory_space<hbm>> -> memref<512x64xf32, #tpu.memory_space<hbm>>
      %dma_wait3A_499 = arith.constant 0 : i32
      %dma_wait3A_500 = tpu.memref_slice %arg12[%mul3A_82, %dma_wait3A_499] : memref<16384x64xf32, #tpu.memory_space<hbm>> -> memref<512x64xf32, #tpu.memory_space<hbm>>
      tpu.wait_dma2 semaphore(%run_scoped3A : memref<!tpu.dma_semaphore, #tpu.memory_space<semaphore_mem>>) src(%arg19 : memref<512x64xf32, #tpu.memory_space<vmem>>) dst(%dma_wait3A_500 : memref<512x64xf32, #tpu.memory_space<hbm>>)
      tpu.yield
    }) : () -> ()
    "tpu.region"() ({
      %run_scoped3A = tpu.sem_alloc : memref<!tpu.dma_semaphore, #tpu.memory_space<semaphore_mem>>
      %dma_start3A_493 = arith.constant 0 : i32
      %dma_start3A_494 = tpu.memref_slice %arg3[%mul3A_2, %dma_start3A_493] : memref<128x128xi32, #tpu.memory_space<hbm>> -> memref<4x128xi32, #tpu.memory_space<hbm>>
      %dma_start3A_495 = arith.constant 0 : i32
      %dma_start3A_496 = tpu.memref_slice %arg3[%mul3A_2, %dma_start3A_495] : memref<128x128xi32, #tpu.memory_space<hbm>> -> memref<4x128xi32, #tpu.memory_space<hbm>>
      tpu.enqueue_dma source(%dma_start3A_496 : memref<4x128xi32, #tpu.memory_space<hbm>>) target(%arg18 : memref<4x128xi32, #tpu.memory_space<vmem>>) target_semaphore(%run_scoped3A : memref<!tpu.dma_semaphore, #tpu.memory_space<semaphore_mem>>)
      %dma_wait3A_497 = arith.constant 0 : i32
      %dma_wait3A_498 = tpu.memref_slice %arg3[%mul3A_2, %dma_wait3A_497] : memref<128x128xi32, #tpu.memory_space<hbm>> -> memref<4x128xi32, #tpu.memory_space<hbm>>
      %dma_wait3A_499 = arith.constant 0 : i32
      %dma_wait3A_500 = tpu.memref_slice %arg3[%mul3A_2, %dma_wait3A_499] : memref<128x128xi32, #tpu.memory_space<hbm>> -> memref<4x128xi32, #tpu.memory_space<hbm>>
      tpu.wait_dma2 semaphore(%run_scoped3A : memref<!tpu.dma_semaphore, #tpu.memory_space<semaphore_mem>>) src(%dma_wait3A_500 : memref<4x128xi32, #tpu.memory_space<hbm>>) dst(%arg18 : memref<4x128xi32, #tpu.memory_space<vmem>>)
      tpu.yield
    }) : () -> ()
    %dma_start3A_83 = arith.constant 0 : i32
    %dma_start3A_84 = arith.constant 0 : i32
    %dma_start3A_85 = arith.constant 0 : i32
    %dma_start3A_86 = tpu.memref_slice %arg19[%dma_start3A_84, %dma_start3A_85] : memref<512x64xf32, #tpu.memory_space<vmem>> -> memref<128x64xf32, #tpu.memory_space<vmem>>
    %dma_start3A_87 = arith.constant 0 : i32
    %dma_start3A_88 = tpu.memref_slice %arg18[%dma_start3A_83, %dma_start3A_87] : memref<4x128xi32, #tpu.memory_space<vmem>> -> memref<1x128xi32, #tpu.memory_space<vmem>>
    %dma_start3A_89 = tpu.memref_squeeze %dma_start3A_88 : memref<1x128xi32, #tpu.memory_space<vmem>> -> memref<128xi32, #tpu.memory_space<vmem>>
    %dma_start3A_90 = arith.constant 0 : i32
    %dma_start3A_91 = arith.constant 0 : i32
    %dma_start3A_92 = tpu.memref_slice %arg9[%dma_start3A_90, %dma_start3A_91] : memref<1000000x64xf32, #tpu.memory_space<hbm>> -> memref<1000000x64xf32, #tpu.memory_space<hbm>>
    tpu.enqueue_indirect_dma source(%dma_start3A_92 : memref<1000000x64xf32, #tpu.memory_space<hbm>>) target(%dma_start3A_86 : memref<128x64xf32, #tpu.memory_space<vmem>>) offsets(%dma_start3A_89 : memref<128xi32, #tpu.memory_space<vmem>>) semaphore(%arg20 : memref<!tpu.dma_semaphore, #tpu.memory_space<semaphore_mem>>)
    %dma_start3A_93 = arith.constant 1 : i32
    %dma_start3A_94 = arith.constant 128 : i32
    %dma_start3A_95 = arith.constant 0 : i32
    %dma_start3A_96 = tpu.memref_slice %arg19[%dma_start3A_94, %dma_start3A_95] : memref<512x64xf32, #tpu.memory_space<vmem>> -> memref<128x64xf32, #tpu.memory_space<vmem>>
    %dma_start3A_97 = arith.constant 0 : i32
    %dma_start3A_98 = tpu.memref_slice %arg18[%dma_start3A_93, %dma_start3A_97] : memref<4x128xi32, #tpu.memory_space<vmem>> -> memref<1x128xi32, #tpu.memory_space<vmem>>
    %dma_start3A_99 = tpu.memref_squeeze %dma_start3A_98 : memref<1x128xi32, #tpu.memory_space<vmem>> -> memref<128xi32, #tpu.memory_space<vmem>>
    %dma_start3A_100 = arith.constant 0 : i32
    %dma_start3A_101 = arith.constant 0 : i32
    %dma_start3A_102 = tpu.memref_slice %arg9[%dma_start3A_100, %dma_start3A_101] : memref<1000000x64xf32, #tpu.memory_space<hbm>> -> memref<1000000x64xf32, #tpu.memory_space<hbm>>
    tpu.enqueue_indirect_dma source(%dma_start3A_102 : memref<1000000x64xf32, #tpu.memory_space<hbm>>) target(%dma_start3A_96 : memref<128x64xf32, #tpu.memory_space<vmem>>) offsets(%dma_start3A_99 : memref<128xi32, #tpu.memory_space<vmem>>) semaphore(%arg20 : memref<!tpu.dma_semaphore, #tpu.memory_space<semaphore_mem>>)
    %dma_start3A_103 = arith.constant 2 : i32
    %dma_start3A_104 = arith.constant 256 : i32
    %dma_start3A_105 = arith.constant 0 : i32
    %dma_start3A_106 = tpu.memref_slice %arg19[%dma_start3A_104, %dma_start3A_105] : memref<512x64xf32, #tpu.memory_space<vmem>> -> memref<128x64xf32, #tpu.memory_space<vmem>>
    %dma_start3A_107 = arith.constant 0 : i32
    %dma_start3A_108 = tpu.memref_slice %arg18[%dma_start3A_103, %dma_start3A_107] : memref<4x128xi32, #tpu.memory_space<vmem>> -> memref<1x128xi32, #tpu.memory_space<vmem>>
    %dma_start3A_109 = tpu.memref_squeeze %dma_start3A_108 : memref<1x128xi32, #tpu.memory_space<vmem>> -> memref<128xi32, #tpu.memory_space<vmem>>
    %dma_start3A_110 = arith.constant 0 : i32
    %dma_start3A_111 = arith.constant 0 : i32
    %dma_start3A_112 = tpu.memref_slice %arg9[%dma_start3A_110, %dma_start3A_111] : memref<1000000x64xf32, #tpu.memory_space<hbm>> -> memref<1000000x64xf32, #tpu.memory_space<hbm>>
    tpu.enqueue_indirect_dma source(%dma_start3A_112 : memref<1000000x64xf32, #tpu.memory_space<hbm>>) target(%dma_start3A_106 : memref<128x64xf32, #tpu.memory_space<vmem>>) offsets(%dma_start3A_109 : memref<128xi32, #tpu.memory_space<vmem>>) semaphore(%arg20 : memref<!tpu.dma_semaphore, #tpu.memory_space<semaphore_mem>>)
    %dma_start3A_113 = arith.constant 3 : i32
    %dma_start3A_114 = arith.constant 384 : i32
    %dma_start3A_115 = arith.constant 0 : i32
    %dma_start3A_116 = tpu.memref_slice %arg19[%dma_start3A_114, %dma_start3A_115] : memref<512x64xf32, #tpu.memory_space<vmem>> -> memref<128x64xf32, #tpu.memory_space<vmem>>
    %dma_start3A_117 = arith.constant 0 : i32
    %dma_start3A_118 = tpu.memref_slice %arg18[%dma_start3A_113, %dma_start3A_117] : memref<4x128xi32, #tpu.memory_space<vmem>> -> memref<1x128xi32, #tpu.memory_space<vmem>>
    %dma_start3A_119 = tpu.memref_squeeze %dma_start3A_118 : memref<1x128xi32, #tpu.memory_space<vmem>> -> memref<128xi32, #tpu.memory_space<vmem>>
    %dma_start3A_120 = arith.constant 0 : i32
    %dma_start3A_121 = arith.constant 0 : i32
    %dma_start3A_122 = tpu.memref_slice %arg9[%dma_start3A_120, %dma_start3A_121] : memref<1000000x64xf32, #tpu.memory_space<hbm>> -> memref<1000000x64xf32, #tpu.memory_space<hbm>>
    tpu.enqueue_indirect_dma source(%dma_start3A_122 : memref<1000000x64xf32, #tpu.memory_space<hbm>>) target(%dma_start3A_116 : memref<128x64xf32, #tpu.memory_space<vmem>>) offsets(%dma_start3A_119 : memref<128xi32, #tpu.memory_space<vmem>>) semaphore(%arg20 : memref<!tpu.dma_semaphore, #tpu.memory_space<semaphore_mem>>)
    %dma_wait3A_123 = arith.constant 0 : i32
    %dma_wait3A_124 = arith.constant 0 : i32
    %dma_wait3A_125 = arith.constant 0 : i32
    %dma_wait3A_126 = tpu.memref_slice %arg19[%dma_wait3A_124, %dma_wait3A_125] : memref<512x64xf32, #tpu.memory_space<vmem>> -> memref<128x64xf32, #tpu.memory_space<vmem>>
    %dma_wait3A_127 = arith.constant 0 : i32
    %dma_wait3A_128 = tpu.memref_slice %arg18[%dma_wait3A_123, %dma_wait3A_127] : memref<4x128xi32, #tpu.memory_space<vmem>> -> memref<1x128xi32, #tpu.memory_space<vmem>>
    %dma_wait3A_129 = tpu.memref_squeeze %dma_wait3A_128 : memref<1x128xi32, #tpu.memory_space<vmem>> -> memref<128xi32, #tpu.memory_space<vmem>>
    %dma_wait3A_130 = arith.constant 0 : i32
    %dma_wait3A_131 = arith.constant 0 : i32
    %dma_wait3A_132 = tpu.memref_slice %arg9[%dma_wait3A_130, %dma_wait3A_131] : memref<1000000x64xf32, #tpu.memory_space<hbm>> -> memref<1000000x64xf32, #tpu.memory_space<hbm>>
    tpu.wait_indirect_dma semaphore(%arg20 : memref<!tpu.dma_semaphore, #tpu.memory_space<semaphore_mem>>) src(%dma_wait3A_132 : memref<1000000x64xf32, #tpu.memory_space<hbm>>) dst(%dma_wait3A_126 : memref<128x64xf32, #tpu.memory_space<vmem>>)
    %dma_wait3A_133 = arith.constant 1 : i32
    %dma_wait3A_134 = arith.constant 128 : i32
    %dma_wait3A_135 = arith.constant 0 : i32
    %dma_wait3A_136 = tpu.memref_slice %arg19[%dma_wait3A_134, %dma_wait3A_135] : memref<512x64xf32, #tpu.memory_space<vmem>> -> memref<128x64xf32, #tpu.memory_space<vmem>>
    %dma_wait3A_137 = arith.constant 0 : i32
    %dma_wait3A_138 = tpu.memref_slice %arg18[%dma_wait3A_133, %dma_wait3A_137] : memref<4x128xi32, #tpu.memory_space<vmem>> -> memref<1x128xi32, #tpu.memory_space<vmem>>
    %dma_wait3A_139 = tpu.memref_squeeze %dma_wait3A_138 : memref<1x128xi32, #tpu.memory_space<vmem>> -> memref<128xi32, #tpu.memory_space<vmem>>
    %dma_wait3A_140 = arith.constant 0 : i32
    %dma_wait3A_141 = arith.constant 0 : i32
    %dma_wait3A_142 = tpu.memref_slice %arg9[%dma_wait3A_140, %dma_wait3A_141] : memref<1000000x64xf32, #tpu.memory_space<hbm>> -> memref<1000000x64xf32, #tpu.memory_space<hbm>>
    tpu.wait_indirect_dma semaphore(%arg20 : memref<!tpu.dma_semaphore, #tpu.memory_space<semaphore_mem>>) src(%dma_wait3A_142 : memref<1000000x64xf32, #tpu.memory_space<hbm>>) dst(%dma_wait3A_136 : memref<128x64xf32, #tpu.memory_space<vmem>>)
    %dma_wait3A_143 = arith.constant 2 : i32
    %dma_wait3A_144 = arith.constant 256 : i32
    %dma_wait3A_145 = arith.constant 0 : i32
    %dma_wait3A_146 = tpu.memref_slice %arg19[%dma_wait3A_144, %dma_wait3A_145] : memref<512x64xf32, #tpu.memory_space<vmem>> -> memref<128x64xf32, #tpu.memory_space<vmem>>
    %dma_wait3A_147 = arith.constant 0 : i32
    %dma_wait3A_148 = tpu.memref_slice %arg18[%dma_wait3A_143, %dma_wait3A_147] : memref<4x128xi32, #tpu.memory_space<vmem>> -> memref<1x128xi32, #tpu.memory_space<vmem>>
    %dma_wait3A_149 = tpu.memref_squeeze %dma_wait3A_148 : memref<1x128xi32, #tpu.memory_space<vmem>> -> memref<128xi32, #tpu.memory_space<vmem>>
    %dma_wait3A_150 = arith.constant 0 : i32
    %dma_wait3A_151 = arith.constant 0 : i32
    %dma_wait3A_152 = tpu.memref_slice %arg9[%dma_wait3A_150, %dma_wait3A_151] : memref<1000000x64xf32, #tpu.memory_space<hbm>> -> memref<1000000x64xf32, #tpu.memory_space<hbm>>
    tpu.wait_indirect_dma semaphore(%arg20 : memref<!tpu.dma_semaphore, #tpu.memory_space<semaphore_mem>>) src(%dma_wait3A_152 : memref<1000000x64xf32, #tpu.memory_space<hbm>>) dst(%dma_wait3A_146 : memref<128x64xf32, #tpu.memory_space<vmem>>)
    %dma_wait3A_153 = arith.constant 3 : i32
    %dma_wait3A_154 = arith.constant 384 : i32
    %dma_wait3A_155 = arith.constant 0 : i32
    %dma_wait3A_156 = tpu.memref_slice %arg19[%dma_wait3A_154, %dma_wait3A_155] : memref<512x64xf32, #tpu.memory_space<vmem>> -> memref<128x64xf32, #tpu.memory_space<vmem>>
    %dma_wait3A_157 = arith.constant 0 : i32
    %dma_wait3A_158 = tpu.memref_slice %arg18[%dma_wait3A_153, %dma_wait3A_157] : memref<4x128xi32, #tpu.memory_space<vmem>> -> memref<1x128xi32, #tpu.memory_space<vmem>>
    %dma_wait3A_159 = tpu.memref_squeeze %dma_wait3A_158 : memref<1x128xi32, #tpu.memory_space<vmem>> -> memref<128xi32, #tpu.memory_space<vmem>>
    %dma_wait3A_160 = arith.constant 0 : i32
    %dma_wait3A_161 = arith.constant 0 : i32
    %dma_wait3A_162 = tpu.memref_slice %arg9[%dma_wait3A_160, %dma_wait3A_161] : memref<1000000x64xf32, #tpu.memory_space<hbm>> -> memref<1000000x64xf32, #tpu.memory_space<hbm>>
    tpu.wait_indirect_dma semaphore(%arg20 : memref<!tpu.dma_semaphore, #tpu.memory_space<semaphore_mem>>) src(%dma_wait3A_162 : memref<1000000x64xf32, #tpu.memory_space<hbm>>) dst(%dma_wait3A_156 : memref<128x64xf32, #tpu.memory_space<vmem>>)
    %mul3A_163 = arith.constant 512 : i32
    %mul3A_164 = arith.muli %add3A, %mul3A_163 : i32
    "tpu.region"() ({
      %run_scoped3A = tpu.sem_alloc : memref<!tpu.dma_semaphore, #tpu.memory_space<semaphore_mem>>
      %dma_start3A_493 = arith.constant 0 : i32
      %dma_start3A_494 = tpu.memref_slice %arg13[%mul3A_164, %dma_start3A_493] : memref<16384x64xf32, #tpu.memory_space<hbm>> -> memref<512x64xf32, #tpu.memory_space<hbm>>
      %dma_start3A_495 = arith.constant 0 : i32
      %dma_start3A_496 = tpu.memref_slice %arg13[%mul3A_164, %dma_start3A_495] : memref<16384x64xf32, #tpu.memory_space<hbm>> -> memref<512x64xf32, #tpu.memory_space<hbm>>
      tpu.enqueue_dma source(%arg19 : memref<512x64xf32, #tpu.memory_space<vmem>>) target(%dma_start3A_496 : memref<512x64xf32, #tpu.memory_space<hbm>>) target_semaphore(%run_scoped3A : memref<!tpu.dma_semaphore, #tpu.memory_space<semaphore_mem>>)
      %dma_wait3A_497 = arith.constant 0 : i32
      %dma_wait3A_498 = tpu.memref_slice %arg13[%mul3A_164, %dma_wait3A_497] : memref<16384x64xf32, #tpu.memory_space<hbm>> -> memref<512x64xf32, #tpu.memory_space<hbm>>
      %dma_wait3A_499 = arith.constant 0 : i32
      %dma_wait3A_500 = tpu.memref_slice %arg13[%mul3A_164, %dma_wait3A_499] : memref<16384x64xf32, #tpu.memory_space<hbm>> -> memref<512x64xf32, #tpu.memory_space<hbm>>
      tpu.wait_dma2 semaphore(%run_scoped3A : memref<!tpu.dma_semaphore, #tpu.memory_space<semaphore_mem>>) src(%arg19 : memref<512x64xf32, #tpu.memory_space<vmem>>) dst(%dma_wait3A_500 : memref<512x64xf32, #tpu.memory_space<hbm>>)
      tpu.yield
    }) : () -> ()
    "tpu.region"() ({
      %run_scoped3A = tpu.sem_alloc : memref<!tpu.dma_semaphore, #tpu.memory_space<semaphore_mem>>
      %dma_start3A_493 = arith.constant 0 : i32
      %dma_start3A_494 = tpu.memref_slice %arg4[%mul3A_2, %dma_start3A_493] : memref<128x128xi32, #tpu.memory_space<hbm>> -> memref<4x128xi32, #tpu.memory_space<hbm>>
      %dma_start3A_495 = arith.constant 0 : i32
      %dma_start3A_496 = tpu.memref_slice %arg4[%mul3A_2, %dma_start3A_495] : memref<128x128xi32, #tpu.memory_space<hbm>> -> memref<4x128xi32, #tpu.memory_space<hbm>>
      tpu.enqueue_dma source(%dma_start3A_496 : memref<4x128xi32, #tpu.memory_space<hbm>>) target(%arg18 : memref<4x128xi32, #tpu.memory_space<vmem>>) target_semaphore(%run_scoped3A : memref<!tpu.dma_semaphore, #tpu.memory_space<semaphore_mem>>)
      %dma_wait3A_497 = arith.constant 0 : i32
      %dma_wait3A_498 = tpu.memref_slice %arg4[%mul3A_2, %dma_wait3A_497] : memref<128x128xi32, #tpu.memory_space<hbm>> -> memref<4x128xi32, #tpu.memory_space<hbm>>
      %dma_wait3A_499 = arith.constant 0 : i32
      %dma_wait3A_500 = tpu.memref_slice %arg4[%mul3A_2, %dma_wait3A_499] : memref<128x128xi32, #tpu.memory_space<hbm>> -> memref<4x128xi32, #tpu.memory_space<hbm>>
      tpu.wait_dma2 semaphore(%run_scoped3A : memref<!tpu.dma_semaphore, #tpu.memory_space<semaphore_mem>>) src(%dma_wait3A_500 : memref<4x128xi32, #tpu.memory_space<hbm>>) dst(%arg18 : memref<4x128xi32, #tpu.memory_space<vmem>>)
      tpu.yield
    }) : () -> ()
    %dma_start3A_165 = arith.constant 0 : i32
    %dma_start3A_166 = arith.constant 0 : i32
    %dma_start3A_167 = arith.constant 0 : i32
    %dma_start3A_168 = tpu.memref_slice %arg19[%dma_start3A_166, %dma_start3A_167] : memref<512x64xf32, #tpu.memory_space<vmem>> -> memref<128x64xf32, #tpu.memory_space<vmem>>
    %dma_start3A_169 = arith.constant 0 : i32
    %dma_start3A_170 = tpu.memref_slice %arg18[%dma_start3A_165, %dma_start3A_169] : memref<4x128xi32, #tpu.memory_space<vmem>> -> memref<1x128xi32, #tpu.memory_space<vmem>>
    %dma_start3A_171 = tpu.memref_squeeze %dma_start3A_170 : memref<1x128xi32, #tpu.memory_space<vmem>> -> memref<128xi32, #tpu.memory_space<vmem>>
    %dma_start3A_172 = arith.constant 0 : i32
    %dma_start3A_173 = arith.constant 0 : i32
    %dma_start3A_174 = tpu.memref_slice %arg9[%dma_start3A_172, %dma_start3A_173] : memref<1000000x64xf32, #tpu.memory_space<hbm>> -> memref<1000000x64xf32, #tpu.memory_space<hbm>>
    tpu.enqueue_indirect_dma source(%dma_start3A_174 : memref<1000000x64xf32, #tpu.memory_space<hbm>>) target(%dma_start3A_168 : memref<128x64xf32, #tpu.memory_space<vmem>>) offsets(%dma_start3A_171 : memref<128xi32, #tpu.memory_space<vmem>>) semaphore(%arg20 : memref<!tpu.dma_semaphore, #tpu.memory_space<semaphore_mem>>)
    %dma_start3A_175 = arith.constant 1 : i32
    %dma_start3A_176 = arith.constant 128 : i32
    %dma_start3A_177 = arith.constant 0 : i32
    %dma_start3A_178 = tpu.memref_slice %arg19[%dma_start3A_176, %dma_start3A_177] : memref<512x64xf32, #tpu.memory_space<vmem>> -> memref<128x64xf32, #tpu.memory_space<vmem>>
    %dma_start3A_179 = arith.constant 0 : i32
    %dma_start3A_180 = tpu.memref_slice %arg18[%dma_start3A_175, %dma_start3A_179] : memref<4x128xi32, #tpu.memory_space<vmem>> -> memref<1x128xi32, #tpu.memory_space<vmem>>
    %dma_start3A_181 = tpu.memref_squeeze %dma_start3A_180 : memref<1x128xi32, #tpu.memory_space<vmem>> -> memref<128xi32, #tpu.memory_space<vmem>>
    %dma_start3A_182 = arith.constant 0 : i32
    %dma_start3A_183 = arith.constant 0 : i32
    %dma_start3A_184 = tpu.memref_slice %arg9[%dma_start3A_182, %dma_start3A_183] : memref<1000000x64xf32, #tpu.memory_space<hbm>> -> memref<1000000x64xf32, #tpu.memory_space<hbm>>
    tpu.enqueue_indirect_dma source(%dma_start3A_184 : memref<1000000x64xf32, #tpu.memory_space<hbm>>) target(%dma_start3A_178 : memref<128x64xf32, #tpu.memory_space<vmem>>) offsets(%dma_start3A_181 : memref<128xi32, #tpu.memory_space<vmem>>) semaphore(%arg20 : memref<!tpu.dma_semaphore, #tpu.memory_space<semaphore_mem>>)
    %dma_start3A_185 = arith.constant 2 : i32
    %dma_start3A_186 = arith.constant 256 : i32
    %dma_start3A_187 = arith.constant 0 : i32
    %dma_start3A_188 = tpu.memref_slice %arg19[%dma_start3A_186, %dma_start3A_187] : memref<512x64xf32, #tpu.memory_space<vmem>> -> memref<128x64xf32, #tpu.memory_space<vmem>>
    %dma_start3A_189 = arith.constant 0 : i32
    %dma_start3A_190 = tpu.memref_slice %arg18[%dma_start3A_185, %dma_start3A_189] : memref<4x128xi32, #tpu.memory_space<vmem>> -> memref<1x128xi32, #tpu.memory_space<vmem>>
    %dma_start3A_191 = tpu.memref_squeeze %dma_start3A_190 : memref<1x128xi32, #tpu.memory_space<vmem>> -> memref<128xi32, #tpu.memory_space<vmem>>
    %dma_start3A_192 = arith.constant 0 : i32
    %dma_start3A_193 = arith.constant 0 : i32
    %dma_start3A_194 = tpu.memref_slice %arg9[%dma_start3A_192, %dma_start3A_193] : memref<1000000x64xf32, #tpu.memory_space<hbm>> -> memref<1000000x64xf32, #tpu.memory_space<hbm>>
    tpu.enqueue_indirect_dma source(%dma_start3A_194 : memref<1000000x64xf32, #tpu.memory_space<hbm>>) target(%dma_start3A_188 : memref<128x64xf32, #tpu.memory_space<vmem>>) offsets(%dma_start3A_191 : memref<128xi32, #tpu.memory_space<vmem>>) semaphore(%arg20 : memref<!tpu.dma_semaphore, #tpu.memory_space<semaphore_mem>>)
    %dma_start3A_195 = arith.constant 3 : i32
    %dma_start3A_196 = arith.constant 384 : i32
    %dma_start3A_197 = arith.constant 0 : i32
    %dma_start3A_198 = tpu.memref_slice %arg19[%dma_start3A_196, %dma_start3A_197] : memref<512x64xf32, #tpu.memory_space<vmem>> -> memref<128x64xf32, #tpu.memory_space<vmem>>
    %dma_start3A_199 = arith.constant 0 : i32
    %dma_start3A_200 = tpu.memref_slice %arg18[%dma_start3A_195, %dma_start3A_199] : memref<4x128xi32, #tpu.memory_space<vmem>> -> memref<1x128xi32, #tpu.memory_space<vmem>>
    %dma_start3A_201 = tpu.memref_squeeze %dma_start3A_200 : memref<1x128xi32, #tpu.memory_space<vmem>> -> memref<128xi32, #tpu.memory_space<vmem>>
    %dma_start3A_202 = arith.constant 0 : i32
    %dma_start3A_203 = arith.constant 0 : i32
    %dma_start3A_204 = tpu.memref_slice %arg9[%dma_start3A_202, %dma_start3A_203] : memref<1000000x64xf32, #tpu.memory_space<hbm>> -> memref<1000000x64xf32, #tpu.memory_space<hbm>>
    tpu.enqueue_indirect_dma source(%dma_start3A_204 : memref<1000000x64xf32, #tpu.memory_space<hbm>>) target(%dma_start3A_198 : memref<128x64xf32, #tpu.memory_space<vmem>>) offsets(%dma_start3A_201 : memref<128xi32, #tpu.memory_space<vmem>>) semaphore(%arg20 : memref<!tpu.dma_semaphore, #tpu.memory_space<semaphore_mem>>)
    %dma_wait3A_205 = arith.constant 0 : i32
    %dma_wait3A_206 = arith.constant 0 : i32
    %dma_wait3A_207 = arith.constant 0 : i32
    %dma_wait3A_208 = tpu.memref_slice %arg19[%dma_wait3A_206, %dma_wait3A_207] : memref<512x64xf32, #tpu.memory_space<vmem>> -> memref<128x64xf32, #tpu.memory_space<vmem>>
    %dma_wait3A_209 = arith.constant 0 : i32
    %dma_wait3A_210 = tpu.memref_slice %arg18[%dma_wait3A_205, %dma_wait3A_209] : memref<4x128xi32, #tpu.memory_space<vmem>> -> memref<1x128xi32, #tpu.memory_space<vmem>>
    %dma_wait3A_211 = tpu.memref_squeeze %dma_wait3A_210 : memref<1x128xi32, #tpu.memory_space<vmem>> -> memref<128xi32, #tpu.memory_space<vmem>>
    %dma_wait3A_212 = arith.constant 0 : i32
    %dma_wait3A_213 = arith.constant 0 : i32
    %dma_wait3A_214 = tpu.memref_slice %arg9[%dma_wait3A_212, %dma_wait3A_213] : memref<1000000x64xf32, #tpu.memory_space<hbm>> -> memref<1000000x64xf32, #tpu.memory_space<hbm>>
    tpu.wait_indirect_dma semaphore(%arg20 : memref<!tpu.dma_semaphore, #tpu.memory_space<semaphore_mem>>) src(%dma_wait3A_214 : memref<1000000x64xf32, #tpu.memory_space<hbm>>) dst(%dma_wait3A_208 : memref<128x64xf32, #tpu.memory_space<vmem>>)
    %dma_wait3A_215 = arith.constant 1 : i32
    %dma_wait3A_216 = arith.constant 128 : i32
    %dma_wait3A_217 = arith.constant 0 : i32
    %dma_wait3A_218 = tpu.memref_slice %arg19[%dma_wait3A_216, %dma_wait3A_217] : memref<512x64xf32, #tpu.memory_space<vmem>> -> memref<128x64xf32, #tpu.memory_space<vmem>>
    %dma_wait3A_219 = arith.constant 0 : i32
    %dma_wait3A_220 = tpu.memref_slice %arg18[%dma_wait3A_215, %dma_wait3A_219] : memref<4x128xi32, #tpu.memory_space<vmem>> -> memref<1x128xi32, #tpu.memory_space<vmem>>
    %dma_wait3A_221 = tpu.memref_squeeze %dma_wait3A_220 : memref<1x128xi32, #tpu.memory_space<vmem>> -> memref<128xi32, #tpu.memory_space<vmem>>
    %dma_wait3A_222 = arith.constant 0 : i32
    %dma_wait3A_223 = arith.constant 0 : i32
    %dma_wait3A_224 = tpu.memref_slice %arg9[%dma_wait3A_222, %dma_wait3A_223] : memref<1000000x64xf32, #tpu.memory_space<hbm>> -> memref<1000000x64xf32, #tpu.memory_space<hbm>>
    tpu.wait_indirect_dma semaphore(%arg20 : memref<!tpu.dma_semaphore, #tpu.memory_space<semaphore_mem>>) src(%dma_wait3A_224 : memref<1000000x64xf32, #tpu.memory_space<hbm>>) dst(%dma_wait3A_218 : memref<128x64xf32, #tpu.memory_space<vmem>>)
    %dma_wait3A_225 = arith.constant 2 : i32
    %dma_wait3A_226 = arith.constant 256 : i32
    %dma_wait3A_227 = arith.constant 0 : i32
    %dma_wait3A_228 = tpu.memref_slice %arg19[%dma_wait3A_226, %dma_wait3A_227] : memref<512x64xf32, #tpu.memory_space<vmem>> -> memref<128x64xf32, #tpu.memory_space<vmem>>
    %dma_wait3A_229 = arith.constant 0 : i32
    %dma_wait3A_230 = tpu.memref_slice %arg18[%dma_wait3A_225, %dma_wait3A_229] : memref<4x128xi32, #tpu.memory_space<vmem>> -> memref<1x128xi32, #tpu.memory_space<vmem>>
    %dma_wait3A_231 = tpu.memref_squeeze %dma_wait3A_230 : memref<1x128xi32, #tpu.memory_space<vmem>> -> memref<128xi32, #tpu.memory_space<vmem>>
    %dma_wait3A_232 = arith.constant 0 : i32
    %dma_wait3A_233 = arith.constant 0 : i32
    %dma_wait3A_234 = tpu.memref_slice %arg9[%dma_wait3A_232, %dma_wait3A_233] : memref<1000000x64xf32, #tpu.memory_space<hbm>> -> memref<1000000x64xf32, #tpu.memory_space<hbm>>
    tpu.wait_indirect_dma semaphore(%arg20 : memref<!tpu.dma_semaphore, #tpu.memory_space<semaphore_mem>>) src(%dma_wait3A_234 : memref<1000000x64xf32, #tpu.memory_space<hbm>>) dst(%dma_wait3A_228 : memref<128x64xf32, #tpu.memory_space<vmem>>)
    %dma_wait3A_235 = arith.constant 3 : i32
    %dma_wait3A_236 = arith.constant 384 : i32
    %dma_wait3A_237 = arith.constant 0 : i32
    %dma_wait3A_238 = tpu.memref_slice %arg19[%dma_wait3A_236, %dma_wait3A_237] : memref<512x64xf32, #tpu.memory_space<vmem>> -> memref<128x64xf32, #tpu.memory_space<vmem>>
    %dma_wait3A_239 = arith.constant 0 : i32
    %dma_wait3A_240 = tpu.memref_slice %arg18[%dma_wait3A_235, %dma_wait3A_239] : memref<4x128xi32, #tpu.memory_space<vmem>> -> memref<1x128xi32, #tpu.memory_space<vmem>>
    %dma_wait3A_241 = tpu.memref_squeeze %dma_wait3A_240 : memref<1x128xi32, #tpu.memory_space<vmem>> -> memref<128xi32, #tpu.memory_space<vmem>>
    %dma_wait3A_242 = arith.constant 0 : i32
    %dma_wait3A_243 = arith.constant 0 : i32
    %dma_wait3A_244 = tpu.memref_slice %arg9[%dma_wait3A_242, %dma_wait3A_243] : memref<1000000x64xf32, #tpu.memory_space<hbm>> -> memref<1000000x64xf32, #tpu.memory_space<hbm>>
    tpu.wait_indirect_dma semaphore(%arg20 : memref<!tpu.dma_semaphore, #tpu.memory_space<semaphore_mem>>) src(%dma_wait3A_244 : memref<1000000x64xf32, #tpu.memory_space<hbm>>) dst(%dma_wait3A_238 : memref<128x64xf32, #tpu.memory_space<vmem>>)
    %mul3A_245 = arith.constant 512 : i32
    %mul3A_246 = arith.muli %add3A, %mul3A_245 : i32
    "tpu.region"() ({
      %run_scoped3A = tpu.sem_alloc : memref<!tpu.dma_semaphore, #tpu.memory_space<semaphore_mem>>
      %dma_start3A_493 = arith.constant 0 : i32
      %dma_start3A_494 = tpu.memref_slice %arg14[%mul3A_246, %dma_start3A_493] : memref<16384x64xf32, #tpu.memory_space<hbm>> -> memref<512x64xf32, #tpu.memory_space<hbm>>
      %dma_start3A_495 = arith.constant 0 : i32
      %dma_start3A_496 = tpu.memref_slice %arg14[%mul3A_246, %dma_start3A_495] : memref<16384x64xf32, #tpu.memory_space<hbm>> -> memref<512x64xf32, #tpu.memory_space<hbm>>
      tpu.enqueue_dma source(%arg19 : memref<512x64xf32, #tpu.memory_space<vmem>>) target(%dma_start3A_496 : memref<512x64xf32, #tpu.memory_space<hbm>>) target_semaphore(%run_scoped3A : memref<!tpu.dma_semaphore, #tpu.memory_space<semaphore_mem>>)
      %dma_wait3A_497 = arith.constant 0 : i32
      %dma_wait3A_498 = tpu.memref_slice %arg14[%mul3A_246, %dma_wait3A_497] : memref<16384x64xf32, #tpu.memory_space<hbm>> -> memref<512x64xf32, #tpu.memory_space<hbm>>
      %dma_wait3A_499 = arith.constant 0 : i32
      %dma_wait3A_500 = tpu.memref_slice %arg14[%mul3A_246, %dma_wait3A_499] : memref<16384x64xf32, #tpu.memory_space<hbm>> -> memref<512x64xf32, #tpu.memory_space<hbm>>
      tpu.wait_dma2 semaphore(%run_scoped3A : memref<!tpu.dma_semaphore, #tpu.memory_space<semaphore_mem>>) src(%arg19 : memref<512x64xf32, #tpu.memory_space<vmem>>) dst(%dma_wait3A_500 : memref<512x64xf32, #tpu.memory_space<hbm>>)
      tpu.yield
    }) : () -> ()
    "tpu.region"() ({
      %run_scoped3A = tpu.sem_alloc : memref<!tpu.dma_semaphore, #tpu.memory_space<semaphore_mem>>
      %dma_start3A_493 = arith.constant 0 : i32
      %dma_start3A_494 = tpu.memref_slice %arg5[%mul3A_2, %dma_start3A_493] : memref<128x128xi32, #tpu.memory_space<hbm>> -> memref<4x128xi32, #tpu.memory_space<hbm>>
      %dma_start3A_495 = arith.constant 0 : i32
      %dma_start3A_496 = tpu.memref_slice %arg5[%mul3A_2, %dma_start3A_495] : memref<128x128xi32, #tpu.memory_space<hbm>> -> memref<4x128xi32, #tpu.memory_space<hbm>>
      tpu.enqueue_dma source(%dma_start3A_496 : memref<4x128xi32, #tpu.memory_space<hbm>>) target(%arg18 : memref<4x128xi32, #tpu.memory_space<vmem>>) target_semaphore(%run_scoped3A : memref<!tpu.dma_semaphore, #tpu.memory_space<semaphore_mem>>)
      %dma_wait3A_497 = arith.constant 0 : i32
      %dma_wait3A_498 = tpu.memref_slice %arg5[%mul3A_2, %dma_wait3A_497] : memref<128x128xi32, #tpu.memory_space<hbm>> -> memref<4x128xi32, #tpu.memory_space<hbm>>
      %dma_wait3A_499 = arith.constant 0 : i32
      %dma_wait3A_500 = tpu.memref_slice %arg5[%mul3A_2, %dma_wait3A_499] : memref<128x128xi32, #tpu.memory_space<hbm>> -> memref<4x128xi32, #tpu.memory_space<hbm>>
      tpu.wait_dma2 semaphore(%run_scoped3A : memref<!tpu.dma_semaphore, #tpu.memory_space<semaphore_mem>>) src(%dma_wait3A_500 : memref<4x128xi32, #tpu.memory_space<hbm>>) dst(%arg18 : memref<4x128xi32, #tpu.memory_space<vmem>>)
      tpu.yield
    }) : () -> ()
    %dma_start3A_247 = arith.constant 0 : i32
    %dma_start3A_248 = arith.constant 0 : i32
    %dma_start3A_249 = arith.constant 0 : i32
    %dma_start3A_250 = tpu.memref_slice %arg19[%dma_start3A_248, %dma_start3A_249] : memref<512x64xf32, #tpu.memory_space<vmem>> -> memref<128x64xf32, #tpu.memory_space<vmem>>
    %dma_start3A_251 = arith.constant 0 : i32
    %dma_start3A_252 = tpu.memref_slice %arg18[%dma_start3A_247, %dma_start3A_251] : memref<4x128xi32, #tpu.memory_space<vmem>> -> memref<1x128xi32, #tpu.memory_space<vmem>>
    %dma_start3A_253 = tpu.memref_squeeze %dma_start3A_252 : memref<1x128xi32, #tpu.memory_space<vmem>> -> memref<128xi32, #tpu.memory_space<vmem>>
    %dma_start3A_254 = arith.constant 0 : i32
    %dma_start3A_255 = arith.constant 0 : i32
    %dma_start3A_256 = tpu.memref_slice %arg8[%dma_start3A_254, %dma_start3A_255] : memref<1000000x64xf32, #tpu.memory_space<hbm>> -> memref<1000000x64xf32, #tpu.memory_space<hbm>>
    tpu.enqueue_indirect_dma source(%dma_start3A_256 : memref<1000000x64xf32, #tpu.memory_space<hbm>>) target(%dma_start3A_250 : memref<128x64xf32, #tpu.memory_space<vmem>>) offsets(%dma_start3A_253 : memref<128xi32, #tpu.memory_space<vmem>>) semaphore(%arg20 : memref<!tpu.dma_semaphore, #tpu.memory_space<semaphore_mem>>)
    %dma_start3A_257 = arith.constant 1 : i32
    %dma_start3A_258 = arith.constant 128 : i32
    %dma_start3A_259 = arith.constant 0 : i32
    %dma_start3A_260 = tpu.memref_slice %arg19[%dma_start3A_258, %dma_start3A_259] : memref<512x64xf32, #tpu.memory_space<vmem>> -> memref<128x64xf32, #tpu.memory_space<vmem>>
    %dma_start3A_261 = arith.constant 0 : i32
    %dma_start3A_262 = tpu.memref_slice %arg18[%dma_start3A_257, %dma_start3A_261] : memref<4x128xi32, #tpu.memory_space<vmem>> -> memref<1x128xi32, #tpu.memory_space<vmem>>
    %dma_start3A_263 = tpu.memref_squeeze %dma_start3A_262 : memref<1x128xi32, #tpu.memory_space<vmem>> -> memref<128xi32, #tpu.memory_space<vmem>>
    %dma_start3A_264 = arith.constant 0 : i32
    %dma_start3A_265 = arith.constant 0 : i32
    %dma_start3A_266 = tpu.memref_slice %arg8[%dma_start3A_264, %dma_start3A_265] : memref<1000000x64xf32, #tpu.memory_space<hbm>> -> memref<1000000x64xf32, #tpu.memory_space<hbm>>
    tpu.enqueue_indirect_dma source(%dma_start3A_266 : memref<1000000x64xf32, #tpu.memory_space<hbm>>) target(%dma_start3A_260 : memref<128x64xf32, #tpu.memory_space<vmem>>) offsets(%dma_start3A_263 : memref<128xi32, #tpu.memory_space<vmem>>) semaphore(%arg20 : memref<!tpu.dma_semaphore, #tpu.memory_space<semaphore_mem>>)
    %dma_start3A_267 = arith.constant 2 : i32
    %dma_start3A_268 = arith.constant 256 : i32
    %dma_start3A_269 = arith.constant 0 : i32
    %dma_start3A_270 = tpu.memref_slice %arg19[%dma_start3A_268, %dma_start3A_269] : memref<512x64xf32, #tpu.memory_space<vmem>> -> memref<128x64xf32, #tpu.memory_space<vmem>>
    %dma_start3A_271 = arith.constant 0 : i32
    %dma_start3A_272 = tpu.memref_slice %arg18[%dma_start3A_267, %dma_start3A_271] : memref<4x128xi32, #tpu.memory_space<vmem>> -> memref<1x128xi32, #tpu.memory_space<vmem>>
    %dma_start3A_273 = tpu.memref_squeeze %dma_start3A_272 : memref<1x128xi32, #tpu.memory_space<vmem>> -> memref<128xi32, #tpu.memory_space<vmem>>
    %dma_start3A_274 = arith.constant 0 : i32
    %dma_start3A_275 = arith.constant 0 : i32
    %dma_start3A_276 = tpu.memref_slice %arg8[%dma_start3A_274, %dma_start3A_275] : memref<1000000x64xf32, #tpu.memory_space<hbm>> -> memref<1000000x64xf32, #tpu.memory_space<hbm>>
    tpu.enqueue_indirect_dma source(%dma_start3A_276 : memref<1000000x64xf32, #tpu.memory_space<hbm>>) target(%dma_start3A_270 : memref<128x64xf32, #tpu.memory_space<vmem>>) offsets(%dma_start3A_273 : memref<128xi32, #tpu.memory_space<vmem>>) semaphore(%arg20 : memref<!tpu.dma_semaphore, #tpu.memory_space<semaphore_mem>>)
    %dma_start3A_277 = arith.constant 3 : i32
    %dma_start3A_278 = arith.constant 384 : i32
    %dma_start3A_279 = arith.constant 0 : i32
    %dma_start3A_280 = tpu.memref_slice %arg19[%dma_start3A_278, %dma_start3A_279] : memref<512x64xf32, #tpu.memory_space<vmem>> -> memref<128x64xf32, #tpu.memory_space<vmem>>
    %dma_start3A_281 = arith.constant 0 : i32
    %dma_start3A_282 = tpu.memref_slice %arg18[%dma_start3A_277, %dma_start3A_281] : memref<4x128xi32, #tpu.memory_space<vmem>> -> memref<1x128xi32, #tpu.memory_space<vmem>>
    %dma_start3A_283 = tpu.memref_squeeze %dma_start3A_282 : memref<1x128xi32, #tpu.memory_space<vmem>> -> memref<128xi32, #tpu.memory_space<vmem>>
    %dma_start3A_284 = arith.constant 0 : i32
    %dma_start3A_285 = arith.constant 0 : i32
    %dma_start3A_286 = tpu.memref_slice %arg8[%dma_start3A_284, %dma_start3A_285] : memref<1000000x64xf32, #tpu.memory_space<hbm>> -> memref<1000000x64xf32, #tpu.memory_space<hbm>>
    tpu.enqueue_indirect_dma source(%dma_start3A_286 : memref<1000000x64xf32, #tpu.memory_space<hbm>>) target(%dma_start3A_280 : memref<128x64xf32, #tpu.memory_space<vmem>>) offsets(%dma_start3A_283 : memref<128xi32, #tpu.memory_space<vmem>>) semaphore(%arg20 : memref<!tpu.dma_semaphore, #tpu.memory_space<semaphore_mem>>)
    %dma_wait3A_287 = arith.constant 0 : i32
    %dma_wait3A_288 = arith.constant 0 : i32
    %dma_wait3A_289 = arith.constant 0 : i32
    %dma_wait3A_290 = tpu.memref_slice %arg19[%dma_wait3A_288, %dma_wait3A_289] : memref<512x64xf32, #tpu.memory_space<vmem>> -> memref<128x64xf32, #tpu.memory_space<vmem>>
    %dma_wait3A_291 = arith.constant 0 : i32
    %dma_wait3A_292 = tpu.memref_slice %arg18[%dma_wait3A_287, %dma_wait3A_291] : memref<4x128xi32, #tpu.memory_space<vmem>> -> memref<1x128xi32, #tpu.memory_space<vmem>>
    %dma_wait3A_293 = tpu.memref_squeeze %dma_wait3A_292 : memref<1x128xi32, #tpu.memory_space<vmem>> -> memref<128xi32, #tpu.memory_space<vmem>>
    %dma_wait3A_294 = arith.constant 0 : i32
    %dma_wait3A_295 = arith.constant 0 : i32
    %dma_wait3A_296 = tpu.memref_slice %arg8[%dma_wait3A_294, %dma_wait3A_295] : memref<1000000x64xf32, #tpu.memory_space<hbm>> -> memref<1000000x64xf32, #tpu.memory_space<hbm>>
    tpu.wait_indirect_dma semaphore(%arg20 : memref<!tpu.dma_semaphore, #tpu.memory_space<semaphore_mem>>) src(%dma_wait3A_296 : memref<1000000x64xf32, #tpu.memory_space<hbm>>) dst(%dma_wait3A_290 : memref<128x64xf32, #tpu.memory_space<vmem>>)
    %dma_wait3A_297 = arith.constant 1 : i32
    %dma_wait3A_298 = arith.constant 128 : i32
    %dma_wait3A_299 = arith.constant 0 : i32
    %dma_wait3A_300 = tpu.memref_slice %arg19[%dma_wait3A_298, %dma_wait3A_299] : memref<512x64xf32, #tpu.memory_space<vmem>> -> memref<128x64xf32, #tpu.memory_space<vmem>>
    %dma_wait3A_301 = arith.constant 0 : i32
    %dma_wait3A_302 = tpu.memref_slice %arg18[%dma_wait3A_297, %dma_wait3A_301] : memref<4x128xi32, #tpu.memory_space<vmem>> -> memref<1x128xi32, #tpu.memory_space<vmem>>
    %dma_wait3A_303 = tpu.memref_squeeze %dma_wait3A_302 : memref<1x128xi32, #tpu.memory_space<vmem>> -> memref<128xi32, #tpu.memory_space<vmem>>
    %dma_wait3A_304 = arith.constant 0 : i32
    %dma_wait3A_305 = arith.constant 0 : i32
    %dma_wait3A_306 = tpu.memref_slice %arg8[%dma_wait3A_304, %dma_wait3A_305] : memref<1000000x64xf32, #tpu.memory_space<hbm>> -> memref<1000000x64xf32, #tpu.memory_space<hbm>>
    tpu.wait_indirect_dma semaphore(%arg20 : memref<!tpu.dma_semaphore, #tpu.memory_space<semaphore_mem>>) src(%dma_wait3A_306 : memref<1000000x64xf32, #tpu.memory_space<hbm>>) dst(%dma_wait3A_300 : memref<128x64xf32, #tpu.memory_space<vmem>>)
    %dma_wait3A_307 = arith.constant 2 : i32
    %dma_wait3A_308 = arith.constant 256 : i32
    %dma_wait3A_309 = arith.constant 0 : i32
    %dma_wait3A_310 = tpu.memref_slice %arg19[%dma_wait3A_308, %dma_wait3A_309] : memref<512x64xf32, #tpu.memory_space<vmem>> -> memref<128x64xf32, #tpu.memory_space<vmem>>
    %dma_wait3A_311 = arith.constant 0 : i32
    %dma_wait3A_312 = tpu.memref_slice %arg18[%dma_wait3A_307, %dma_wait3A_311] : memref<4x128xi32, #tpu.memory_space<vmem>> -> memref<1x128xi32, #tpu.memory_space<vmem>>
    %dma_wait3A_313 = tpu.memref_squeeze %dma_wait3A_312 : memref<1x128xi32, #tpu.memory_space<vmem>> -> memref<128xi32, #tpu.memory_space<vmem>>
    %dma_wait3A_314 = arith.constant 0 : i32
    %dma_wait3A_315 = arith.constant 0 : i32
    %dma_wait3A_316 = tpu.memref_slice %arg8[%dma_wait3A_314, %dma_wait3A_315] : memref<1000000x64xf32, #tpu.memory_space<hbm>> -> memref<1000000x64xf32, #tpu.memory_space<hbm>>
    tpu.wait_indirect_dma semaphore(%arg20 : memref<!tpu.dma_semaphore, #tpu.memory_space<semaphore_mem>>) src(%dma_wait3A_316 : memref<1000000x64xf32, #tpu.memory_space<hbm>>) dst(%dma_wait3A_310 : memref<128x64xf32, #tpu.memory_space<vmem>>)
    %dma_wait3A_317 = arith.constant 3 : i32
    %dma_wait3A_318 = arith.constant 384 : i32
    %dma_wait3A_319 = arith.constant 0 : i32
    %dma_wait3A_320 = tpu.memref_slice %arg19[%dma_wait3A_318, %dma_wait3A_319] : memref<512x64xf32, #tpu.memory_space<vmem>> -> memref<128x64xf32, #tpu.memory_space<vmem>>
    %dma_wait3A_321 = arith.constant 0 : i32
    %dma_wait3A_322 = tpu.memref_slice %arg18[%dma_wait3A_317, %dma_wait3A_321] : memref<4x128xi32, #tpu.memory_space<vmem>> -> memref<1x128xi32, #tpu.memory_space<vmem>>
    %dma_wait3A_323 = tpu.memref_squeeze %dma_wait3A_322 : memref<1x128xi32, #tpu.memory_space<vmem>> -> memref<128xi32, #tpu.memory_space<vmem>>
    %dma_wait3A_324 = arith.constant 0 : i32
    %dma_wait3A_325 = arith.constant 0 : i32
    %dma_wait3A_326 = tpu.memref_slice %arg8[%dma_wait3A_324, %dma_wait3A_325] : memref<1000000x64xf32, #tpu.memory_space<hbm>> -> memref<1000000x64xf32, #tpu.memory_space<hbm>>
    tpu.wait_indirect_dma semaphore(%arg20 : memref<!tpu.dma_semaphore, #tpu.memory_space<semaphore_mem>>) src(%dma_wait3A_326 : memref<1000000x64xf32, #tpu.memory_space<hbm>>) dst(%dma_wait3A_320 : memref<128x64xf32, #tpu.memory_space<vmem>>)
    %mul3A_327 = arith.constant 512 : i32
    %mul3A_328 = arith.muli %add3A, %mul3A_327 : i32
    "tpu.region"() ({
      %run_scoped3A = tpu.sem_alloc : memref<!tpu.dma_semaphore, #tpu.memory_space<semaphore_mem>>
      %dma_start3A_493 = arith.constant 0 : i32
      %dma_start3A_494 = tpu.memref_slice %arg15[%mul3A_328, %dma_start3A_493] : memref<16384x64xf32, #tpu.memory_space<hbm>> -> memref<512x64xf32, #tpu.memory_space<hbm>>
      %dma_start3A_495 = arith.constant 0 : i32
      %dma_start3A_496 = tpu.memref_slice %arg15[%mul3A_328, %dma_start3A_495] : memref<16384x64xf32, #tpu.memory_space<hbm>> -> memref<512x64xf32, #tpu.memory_space<hbm>>
      tpu.enqueue_dma source(%arg19 : memref<512x64xf32, #tpu.memory_space<vmem>>) target(%dma_start3A_496 : memref<512x64xf32, #tpu.memory_space<hbm>>) target_semaphore(%run_scoped3A : memref<!tpu.dma_semaphore, #tpu.memory_space<semaphore_mem>>)
      %dma_wait3A_497 = arith.constant 0 : i32
      %dma_wait3A_498 = tpu.memref_slice %arg15[%mul3A_328, %dma_wait3A_497] : memref<16384x64xf32, #tpu.memory_space<hbm>> -> memref<512x64xf32, #tpu.memory_space<hbm>>
      %dma_wait3A_499 = arith.constant 0 : i32
      %dma_wait3A_500 = tpu.memref_slice %arg15[%mul3A_328, %dma_wait3A_499] : memref<16384x64xf32, #tpu.memory_space<hbm>> -> memref<512x64xf32, #tpu.memory_space<hbm>>
      tpu.wait_dma2 semaphore(%run_scoped3A : memref<!tpu.dma_semaphore, #tpu.memory_space<semaphore_mem>>) src(%arg19 : memref<512x64xf32, #tpu.memory_space<vmem>>) dst(%dma_wait3A_500 : memref<512x64xf32, #tpu.memory_space<hbm>>)
      tpu.yield
    }) : () -> ()
    "tpu.region"() ({
      %run_scoped3A = tpu.sem_alloc : memref<!tpu.dma_semaphore, #tpu.memory_space<semaphore_mem>>
      %dma_start3A_493 = arith.constant 0 : i32
      %dma_start3A_494 = tpu.memref_slice %arg6[%mul3A_2, %dma_start3A_493] : memref<128x128xi32, #tpu.memory_space<hbm>> -> memref<4x128xi32, #tpu.memory_space<hbm>>
      %dma_start3A_495 = arith.constant 0 : i32
      %dma_start3A_496 = tpu.memref_slice %arg6[%mul3A_2, %dma_start3A_495] : memref<128x128xi32, #tpu.memory_space<hbm>> -> memref<4x128xi32, #tpu.memory_space<hbm>>
      tpu.enqueue_dma source(%dma_start3A_496 : memref<4x128xi32, #tpu.memory_space<hbm>>) target(%arg18 : memref<4x128xi32, #tpu.memory_space<vmem>>) target_semaphore(%run_scoped3A : memref<!tpu.dma_semaphore, #tpu.memory_space<semaphore_mem>>)
      %dma_wait3A_497 = arith.constant 0 : i32
      %dma_wait3A_498 = tpu.memref_slice %arg6[%mul3A_2, %dma_wait3A_497] : memref<128x128xi32, #tpu.memory_space<hbm>> -> memref<4x128xi32, #tpu.memory_space<hbm>>
      %dma_wait3A_499 = arith.constant 0 : i32
      %dma_wait3A_500 = tpu.memref_slice %arg6[%mul3A_2, %dma_wait3A_499] : memref<128x128xi32, #tpu.memory_space<hbm>> -> memref<4x128xi32, #tpu.memory_space<hbm>>
      tpu.wait_dma2 semaphore(%run_scoped3A : memref<!tpu.dma_semaphore, #tpu.memory_space<semaphore_mem>>) src(%dma_wait3A_500 : memref<4x128xi32, #tpu.memory_space<hbm>>) dst(%arg18 : memref<4x128xi32, #tpu.memory_space<vmem>>)
      tpu.yield
    }) : () -> ()
    %dma_start3A_329 = arith.constant 0 : i32
    %dma_start3A_330 = arith.constant 0 : i32
    %dma_start3A_331 = arith.constant 0 : i32
    %dma_start3A_332 = tpu.memref_slice %arg19[%dma_start3A_330, %dma_start3A_331] : memref<512x64xf32, #tpu.memory_space<vmem>> -> memref<128x64xf32, #tpu.memory_space<vmem>>
    %dma_start3A_333 = arith.constant 0 : i32
    %dma_start3A_334 = tpu.memref_slice %arg18[%dma_start3A_329, %dma_start3A_333] : memref<4x128xi32, #tpu.memory_space<vmem>> -> memref<1x128xi32, #tpu.memory_space<vmem>>
    %dma_start3A_335 = tpu.memref_squeeze %dma_start3A_334 : memref<1x128xi32, #tpu.memory_space<vmem>> -> memref<128xi32, #tpu.memory_space<vmem>>
    %dma_start3A_336 = arith.constant 0 : i32
    %dma_start3A_337 = arith.constant 0 : i32
    %dma_start3A_338 = tpu.memref_slice %arg10[%dma_start3A_336, %dma_start3A_337] : memref<100000x64xf32, #tpu.memory_space<hbm>> -> memref<100000x64xf32, #tpu.memory_space<hbm>>
    tpu.enqueue_indirect_dma source(%dma_start3A_338 : memref<100000x64xf32, #tpu.memory_space<hbm>>) target(%dma_start3A_332 : memref<128x64xf32, #tpu.memory_space<vmem>>) offsets(%dma_start3A_335 : memref<128xi32, #tpu.memory_space<vmem>>) semaphore(%arg20 : memref<!tpu.dma_semaphore, #tpu.memory_space<semaphore_mem>>)
    %dma_start3A_339 = arith.constant 1 : i32
    %dma_start3A_340 = arith.constant 128 : i32
    %dma_start3A_341 = arith.constant 0 : i32
    %dma_start3A_342 = tpu.memref_slice %arg19[%dma_start3A_340, %dma_start3A_341] : memref<512x64xf32, #tpu.memory_space<vmem>> -> memref<128x64xf32, #tpu.memory_space<vmem>>
    %dma_start3A_343 = arith.constant 0 : i32
    %dma_start3A_344 = tpu.memref_slice %arg18[%dma_start3A_339, %dma_start3A_343] : memref<4x128xi32, #tpu.memory_space<vmem>> -> memref<1x128xi32, #tpu.memory_space<vmem>>
    %dma_start3A_345 = tpu.memref_squeeze %dma_start3A_344 : memref<1x128xi32, #tpu.memory_space<vmem>> -> memref<128xi32, #tpu.memory_space<vmem>>
    %dma_start3A_346 = arith.constant 0 : i32
    %dma_start3A_347 = arith.constant 0 : i32
    %dma_start3A_348 = tpu.memref_slice %arg10[%dma_start3A_346, %dma_start3A_347] : memref<100000x64xf32, #tpu.memory_space<hbm>> -> memref<100000x64xf32, #tpu.memory_space<hbm>>
    tpu.enqueue_indirect_dma source(%dma_start3A_348 : memref<100000x64xf32, #tpu.memory_space<hbm>>) target(%dma_start3A_342 : memref<128x64xf32, #tpu.memory_space<vmem>>) offsets(%dma_start3A_345 : memref<128xi32, #tpu.memory_space<vmem>>) semaphore(%arg20 : memref<!tpu.dma_semaphore, #tpu.memory_space<semaphore_mem>>)
    %dma_start3A_349 = arith.constant 2 : i32
    %dma_start3A_350 = arith.constant 256 : i32
    %dma_start3A_351 = arith.constant 0 : i32
    %dma_start3A_352 = tpu.memref_slice %arg19[%dma_start3A_350, %dma_start3A_351] : memref<512x64xf32, #tpu.memory_space<vmem>> -> memref<128x64xf32, #tpu.memory_space<vmem>>
    %dma_start3A_353 = arith.constant 0 : i32
    %dma_start3A_354 = tpu.memref_slice %arg18[%dma_start3A_349, %dma_start3A_353] : memref<4x128xi32, #tpu.memory_space<vmem>> -> memref<1x128xi32, #tpu.memory_space<vmem>>
    %dma_start3A_355 = tpu.memref_squeeze %dma_start3A_354 : memref<1x128xi32, #tpu.memory_space<vmem>> -> memref<128xi32, #tpu.memory_space<vmem>>
    %dma_start3A_356 = arith.constant 0 : i32
    %dma_start3A_357 = arith.constant 0 : i32
    %dma_start3A_358 = tpu.memref_slice %arg10[%dma_start3A_356, %dma_start3A_357] : memref<100000x64xf32, #tpu.memory_space<hbm>> -> memref<100000x64xf32, #tpu.memory_space<hbm>>
    tpu.enqueue_indirect_dma source(%dma_start3A_358 : memref<100000x64xf32, #tpu.memory_space<hbm>>) target(%dma_start3A_352 : memref<128x64xf32, #tpu.memory_space<vmem>>) offsets(%dma_start3A_355 : memref<128xi32, #tpu.memory_space<vmem>>) semaphore(%arg20 : memref<!tpu.dma_semaphore, #tpu.memory_space<semaphore_mem>>)
    %dma_start3A_359 = arith.constant 3 : i32
    %dma_start3A_360 = arith.constant 384 : i32
    %dma_start3A_361 = arith.constant 0 : i32
    %dma_start3A_362 = tpu.memref_slice %arg19[%dma_start3A_360, %dma_start3A_361] : memref<512x64xf32, #tpu.memory_space<vmem>> -> memref<128x64xf32, #tpu.memory_space<vmem>>
    %dma_start3A_363 = arith.constant 0 : i32
    %dma_start3A_364 = tpu.memref_slice %arg18[%dma_start3A_359, %dma_start3A_363] : memref<4x128xi32, #tpu.memory_space<vmem>> -> memref<1x128xi32, #tpu.memory_space<vmem>>
    %dma_start3A_365 = tpu.memref_squeeze %dma_start3A_364 : memref<1x128xi32, #tpu.memory_space<vmem>> -> memref<128xi32, #tpu.memory_space<vmem>>
    %dma_start3A_366 = arith.constant 0 : i32
    %dma_start3A_367 = arith.constant 0 : i32
    %dma_start3A_368 = tpu.memref_slice %arg10[%dma_start3A_366, %dma_start3A_367] : memref<100000x64xf32, #tpu.memory_space<hbm>> -> memref<100000x64xf32, #tpu.memory_space<hbm>>
    tpu.enqueue_indirect_dma source(%dma_start3A_368 : memref<100000x64xf32, #tpu.memory_space<hbm>>) target(%dma_start3A_362 : memref<128x64xf32, #tpu.memory_space<vmem>>) offsets(%dma_start3A_365 : memref<128xi32, #tpu.memory_space<vmem>>) semaphore(%arg20 : memref<!tpu.dma_semaphore, #tpu.memory_space<semaphore_mem>>)
    %dma_wait3A_369 = arith.constant 0 : i32
    %dma_wait3A_370 = arith.constant 0 : i32
    %dma_wait3A_371 = arith.constant 0 : i32
    %dma_wait3A_372 = tpu.memref_slice %arg19[%dma_wait3A_370, %dma_wait3A_371] : memref<512x64xf32, #tpu.memory_space<vmem>> -> memref<128x64xf32, #tpu.memory_space<vmem>>
    %dma_wait3A_373 = arith.constant 0 : i32
    %dma_wait3A_374 = tpu.memref_slice %arg18[%dma_wait3A_369, %dma_wait3A_373] : memref<4x128xi32, #tpu.memory_space<vmem>> -> memref<1x128xi32, #tpu.memory_space<vmem>>
    %dma_wait3A_375 = tpu.memref_squeeze %dma_wait3A_374 : memref<1x128xi32, #tpu.memory_space<vmem>> -> memref<128xi32, #tpu.memory_space<vmem>>
    %dma_wait3A_376 = arith.constant 0 : i32
    %dma_wait3A_377 = arith.constant 0 : i32
    %dma_wait3A_378 = tpu.memref_slice %arg10[%dma_wait3A_376, %dma_wait3A_377] : memref<100000x64xf32, #tpu.memory_space<hbm>> -> memref<100000x64xf32, #tpu.memory_space<hbm>>
    tpu.wait_indirect_dma semaphore(%arg20 : memref<!tpu.dma_semaphore, #tpu.memory_space<semaphore_mem>>) src(%dma_wait3A_378 : memref<100000x64xf32, #tpu.memory_space<hbm>>) dst(%dma_wait3A_372 : memref<128x64xf32, #tpu.memory_space<vmem>>)
    %dma_wait3A_379 = arith.constant 1 : i32
    %dma_wait3A_380 = arith.constant 128 : i32
    %dma_wait3A_381 = arith.constant 0 : i32
    %dma_wait3A_382 = tpu.memref_slice %arg19[%dma_wait3A_380, %dma_wait3A_381] : memref<512x64xf32, #tpu.memory_space<vmem>> -> memref<128x64xf32, #tpu.memory_space<vmem>>
    %dma_wait3A_383 = arith.constant 0 : i32
    %dma_wait3A_384 = tpu.memref_slice %arg18[%dma_wait3A_379, %dma_wait3A_383] : memref<4x128xi32, #tpu.memory_space<vmem>> -> memref<1x128xi32, #tpu.memory_space<vmem>>
    %dma_wait3A_385 = tpu.memref_squeeze %dma_wait3A_384 : memref<1x128xi32, #tpu.memory_space<vmem>> -> memref<128xi32, #tpu.memory_space<vmem>>
    %dma_wait3A_386 = arith.constant 0 : i32
    %dma_wait3A_387 = arith.constant 0 : i32
    %dma_wait3A_388 = tpu.memref_slice %arg10[%dma_wait3A_386, %dma_wait3A_387] : memref<100000x64xf32, #tpu.memory_space<hbm>> -> memref<100000x64xf32, #tpu.memory_space<hbm>>
    tpu.wait_indirect_dma semaphore(%arg20 : memref<!tpu.dma_semaphore, #tpu.memory_space<semaphore_mem>>) src(%dma_wait3A_388 : memref<100000x64xf32, #tpu.memory_space<hbm>>) dst(%dma_wait3A_382 : memref<128x64xf32, #tpu.memory_space<vmem>>)
    %dma_wait3A_389 = arith.constant 2 : i32
    %dma_wait3A_390 = arith.constant 256 : i32
    %dma_wait3A_391 = arith.constant 0 : i32
    %dma_wait3A_392 = tpu.memref_slice %arg19[%dma_wait3A_390, %dma_wait3A_391] : memref<512x64xf32, #tpu.memory_space<vmem>> -> memref<128x64xf32, #tpu.memory_space<vmem>>
    %dma_wait3A_393 = arith.constant 0 : i32
    %dma_wait3A_394 = tpu.memref_slice %arg18[%dma_wait3A_389, %dma_wait3A_393] : memref<4x128xi32, #tpu.memory_space<vmem>> -> memref<1x128xi32, #tpu.memory_space<vmem>>
    %dma_wait3A_395 = tpu.memref_squeeze %dma_wait3A_394 : memref<1x128xi32, #tpu.memory_space<vmem>> -> memref<128xi32, #tpu.memory_space<vmem>>
    %dma_wait3A_396 = arith.constant 0 : i32
    %dma_wait3A_397 = arith.constant 0 : i32
    %dma_wait3A_398 = tpu.memref_slice %arg10[%dma_wait3A_396, %dma_wait3A_397] : memref<100000x64xf32, #tpu.memory_space<hbm>> -> memref<100000x64xf32, #tpu.memory_space<hbm>>
    tpu.wait_indirect_dma semaphore(%arg20 : memref<!tpu.dma_semaphore, #tpu.memory_space<semaphore_mem>>) src(%dma_wait3A_398 : memref<100000x64xf32, #tpu.memory_space<hbm>>) dst(%dma_wait3A_392 : memref<128x64xf32, #tpu.memory_space<vmem>>)
    %dma_wait3A_399 = arith.constant 3 : i32
    %dma_wait3A_400 = arith.constant 384 : i32
    %dma_wait3A_401 = arith.constant 0 : i32
    %dma_wait3A_402 = tpu.memref_slice %arg19[%dma_wait3A_400, %dma_wait3A_401] : memref<512x64xf32, #tpu.memory_space<vmem>> -> memref<128x64xf32, #tpu.memory_space<vmem>>
    %dma_wait3A_403 = arith.constant 0 : i32
    %dma_wait3A_404 = tpu.memref_slice %arg18[%dma_wait3A_399, %dma_wait3A_403] : memref<4x128xi32, #tpu.memory_space<vmem>> -> memref<1x128xi32, #tpu.memory_space<vmem>>
    %dma_wait3A_405 = tpu.memref_squeeze %dma_wait3A_404 : memref<1x128xi32, #tpu.memory_space<vmem>> -> memref<128xi32, #tpu.memory_space<vmem>>
    %dma_wait3A_406 = arith.constant 0 : i32
    %dma_wait3A_407 = arith.constant 0 : i32
    %dma_wait3A_408 = tpu.memref_slice %arg10[%dma_wait3A_406, %dma_wait3A_407] : memref<100000x64xf32, #tpu.memory_space<hbm>> -> memref<100000x64xf32, #tpu.memory_space<hbm>>
    tpu.wait_indirect_dma semaphore(%arg20 : memref<!tpu.dma_semaphore, #tpu.memory_space<semaphore_mem>>) src(%dma_wait3A_408 : memref<100000x64xf32, #tpu.memory_space<hbm>>) dst(%dma_wait3A_402 : memref<128x64xf32, #tpu.memory_space<vmem>>)
    %mul3A_409 = arith.constant 512 : i32
    %mul3A_410 = arith.muli %add3A, %mul3A_409 : i32
    "tpu.region"() ({
      %run_scoped3A = tpu.sem_alloc : memref<!tpu.dma_semaphore, #tpu.memory_space<semaphore_mem>>
      %dma_start3A_493 = arith.constant 0 : i32
      %dma_start3A_494 = tpu.memref_slice %arg16[%mul3A_410, %dma_start3A_493] : memref<16384x64xf32, #tpu.memory_space<hbm>> -> memref<512x64xf32, #tpu.memory_space<hbm>>
      %dma_start3A_495 = arith.constant 0 : i32
      %dma_start3A_496 = tpu.memref_slice %arg16[%mul3A_410, %dma_start3A_495] : memref<16384x64xf32, #tpu.memory_space<hbm>> -> memref<512x64xf32, #tpu.memory_space<hbm>>
      tpu.enqueue_dma source(%arg19 : memref<512x64xf32, #tpu.memory_space<vmem>>) target(%dma_start3A_496 : memref<512x64xf32, #tpu.memory_space<hbm>>) target_semaphore(%run_scoped3A : memref<!tpu.dma_semaphore, #tpu.memory_space<semaphore_mem>>)
      %dma_wait3A_497 = arith.constant 0 : i32
      %dma_wait3A_498 = tpu.memref_slice %arg16[%mul3A_410, %dma_wait3A_497] : memref<16384x64xf32, #tpu.memory_space<hbm>> -> memref<512x64xf32, #tpu.memory_space<hbm>>
      %dma_wait3A_499 = arith.constant 0 : i32
      %dma_wait3A_500 = tpu.memref_slice %arg16[%mul3A_410, %dma_wait3A_499] : memref<16384x64xf32, #tpu.memory_space<hbm>> -> memref<512x64xf32, #tpu.memory_space<hbm>>
      tpu.wait_dma2 semaphore(%run_scoped3A : memref<!tpu.dma_semaphore, #tpu.memory_space<semaphore_mem>>) src(%arg19 : memref<512x64xf32, #tpu.memory_space<vmem>>) dst(%dma_wait3A_500 : memref<512x64xf32, #tpu.memory_space<hbm>>)
      tpu.yield
    }) : () -> ()
    "tpu.region"() ({
      %run_scoped3A = tpu.sem_alloc : memref<!tpu.dma_semaphore, #tpu.memory_space<semaphore_mem>>
      %dma_start3A_493 = arith.constant 0 : i32
      %dma_start3A_494 = tpu.memref_slice %arg7[%mul3A_2, %dma_start3A_493] : memref<128x128xi32, #tpu.memory_space<hbm>> -> memref<4x128xi32, #tpu.memory_space<hbm>>
      %dma_start3A_495 = arith.constant 0 : i32
      %dma_start3A_496 = tpu.memref_slice %arg7[%mul3A_2, %dma_start3A_495] : memref<128x128xi32, #tpu.memory_space<hbm>> -> memref<4x128xi32, #tpu.memory_space<hbm>>
      tpu.enqueue_dma source(%dma_start3A_496 : memref<4x128xi32, #tpu.memory_space<hbm>>) target(%arg18 : memref<4x128xi32, #tpu.memory_space<vmem>>) target_semaphore(%run_scoped3A : memref<!tpu.dma_semaphore, #tpu.memory_space<semaphore_mem>>)
      %dma_wait3A_497 = arith.constant 0 : i32
      %dma_wait3A_498 = tpu.memref_slice %arg7[%mul3A_2, %dma_wait3A_497] : memref<128x128xi32, #tpu.memory_space<hbm>> -> memref<4x128xi32, #tpu.memory_space<hbm>>
      %dma_wait3A_499 = arith.constant 0 : i32
      %dma_wait3A_500 = tpu.memref_slice %arg7[%mul3A_2, %dma_wait3A_499] : memref<128x128xi32, #tpu.memory_space<hbm>> -> memref<4x128xi32, #tpu.memory_space<hbm>>
      tpu.wait_dma2 semaphore(%run_scoped3A : memref<!tpu.dma_semaphore, #tpu.memory_space<semaphore_mem>>) src(%dma_wait3A_500 : memref<4x128xi32, #tpu.memory_space<hbm>>) dst(%arg18 : memref<4x128xi32, #tpu.memory_space<vmem>>)
      tpu.yield
    }) : () -> ()
    %dma_start3A_411 = arith.constant 0 : i32
    %dma_start3A_412 = arith.constant 0 : i32
    %dma_start3A_413 = arith.constant 0 : i32
    %dma_start3A_414 = tpu.memref_slice %arg19[%dma_start3A_412, %dma_start3A_413] : memref<512x64xf32, #tpu.memory_space<vmem>> -> memref<128x64xf32, #tpu.memory_space<vmem>>
    %dma_start3A_415 = arith.constant 0 : i32
    %dma_start3A_416 = tpu.memref_slice %arg18[%dma_start3A_411, %dma_start3A_415] : memref<4x128xi32, #tpu.memory_space<vmem>> -> memref<1x128xi32, #tpu.memory_space<vmem>>
    %dma_start3A_417 = tpu.memref_squeeze %dma_start3A_416 : memref<1x128xi32, #tpu.memory_space<vmem>> -> memref<128xi32, #tpu.memory_space<vmem>>
    %dma_start3A_418 = arith.constant 0 : i32
    %dma_start3A_419 = arith.constant 0 : i32
    %dma_start3A_420 = tpu.memref_slice %arg11[%dma_start3A_418, %dma_start3A_419] : memref<100000x64xf32, #tpu.memory_space<hbm>> -> memref<100000x64xf32, #tpu.memory_space<hbm>>
    tpu.enqueue_indirect_dma source(%dma_start3A_420 : memref<100000x64xf32, #tpu.memory_space<hbm>>) target(%dma_start3A_414 : memref<128x64xf32, #tpu.memory_space<vmem>>) offsets(%dma_start3A_417 : memref<128xi32, #tpu.memory_space<vmem>>) semaphore(%arg20 : memref<!tpu.dma_semaphore, #tpu.memory_space<semaphore_mem>>)
    %dma_start3A_421 = arith.constant 1 : i32
    %dma_start3A_422 = arith.constant 128 : i32
    %dma_start3A_423 = arith.constant 0 : i32
    %dma_start3A_424 = tpu.memref_slice %arg19[%dma_start3A_422, %dma_start3A_423] : memref<512x64xf32, #tpu.memory_space<vmem>> -> memref<128x64xf32, #tpu.memory_space<vmem>>
    %dma_start3A_425 = arith.constant 0 : i32
    %dma_start3A_426 = tpu.memref_slice %arg18[%dma_start3A_421, %dma_start3A_425] : memref<4x128xi32, #tpu.memory_space<vmem>> -> memref<1x128xi32, #tpu.memory_space<vmem>>
    %dma_start3A_427 = tpu.memref_squeeze %dma_start3A_426 : memref<1x128xi32, #tpu.memory_space<vmem>> -> memref<128xi32, #tpu.memory_space<vmem>>
    %dma_start3A_428 = arith.constant 0 : i32
    %dma_start3A_429 = arith.constant 0 : i32
    %dma_start3A_430 = tpu.memref_slice %arg11[%dma_start3A_428, %dma_start3A_429] : memref<100000x64xf32, #tpu.memory_space<hbm>> -> memref<100000x64xf32, #tpu.memory_space<hbm>>
    tpu.enqueue_indirect_dma source(%dma_start3A_430 : memref<100000x64xf32, #tpu.memory_space<hbm>>) target(%dma_start3A_424 : memref<128x64xf32, #tpu.memory_space<vmem>>) offsets(%dma_start3A_427 : memref<128xi32, #tpu.memory_space<vmem>>) semaphore(%arg20 : memref<!tpu.dma_semaphore, #tpu.memory_space<semaphore_mem>>)
    %dma_start3A_431 = arith.constant 2 : i32
    %dma_start3A_432 = arith.constant 256 : i32
    %dma_start3A_433 = arith.constant 0 : i32
    %dma_start3A_434 = tpu.memref_slice %arg19[%dma_start3A_432, %dma_start3A_433] : memref<512x64xf32, #tpu.memory_space<vmem>> -> memref<128x64xf32, #tpu.memory_space<vmem>>
    %dma_start3A_435 = arith.constant 0 : i32
    %dma_start3A_436 = tpu.memref_slice %arg18[%dma_start3A_431, %dma_start3A_435] : memref<4x128xi32, #tpu.memory_space<vmem>> -> memref<1x128xi32, #tpu.memory_space<vmem>>
    %dma_start3A_437 = tpu.memref_squeeze %dma_start3A_436 : memref<1x128xi32, #tpu.memory_space<vmem>> -> memref<128xi32, #tpu.memory_space<vmem>>
    %dma_start3A_438 = arith.constant 0 : i32
    %dma_start3A_439 = arith.constant 0 : i32
    %dma_start3A_440 = tpu.memref_slice %arg11[%dma_start3A_438, %dma_start3A_439] : memref<100000x64xf32, #tpu.memory_space<hbm>> -> memref<100000x64xf32, #tpu.memory_space<hbm>>
    tpu.enqueue_indirect_dma source(%dma_start3A_440 : memref<100000x64xf32, #tpu.memory_space<hbm>>) target(%dma_start3A_434 : memref<128x64xf32, #tpu.memory_space<vmem>>) offsets(%dma_start3A_437 : memref<128xi32, #tpu.memory_space<vmem>>) semaphore(%arg20 : memref<!tpu.dma_semaphore, #tpu.memory_space<semaphore_mem>>)
    %dma_start3A_441 = arith.constant 3 : i32
    %dma_start3A_442 = arith.constant 384 : i32
    %dma_start3A_443 = arith.constant 0 : i32
    %dma_start3A_444 = tpu.memref_slice %arg19[%dma_start3A_442, %dma_start3A_443] : memref<512x64xf32, #tpu.memory_space<vmem>> -> memref<128x64xf32, #tpu.memory_space<vmem>>
    %dma_start3A_445 = arith.constant 0 : i32
    %dma_start3A_446 = tpu.memref_slice %arg18[%dma_start3A_441, %dma_start3A_445] : memref<4x128xi32, #tpu.memory_space<vmem>> -> memref<1x128xi32, #tpu.memory_space<vmem>>
    %dma_start3A_447 = tpu.memref_squeeze %dma_start3A_446 : memref<1x128xi32, #tpu.memory_space<vmem>> -> memref<128xi32, #tpu.memory_space<vmem>>
    %dma_start3A_448 = arith.constant 0 : i32
    %dma_start3A_449 = arith.constant 0 : i32
    %dma_start3A_450 = tpu.memref_slice %arg11[%dma_start3A_448, %dma_start3A_449] : memref<100000x64xf32, #tpu.memory_space<hbm>> -> memref<100000x64xf32, #tpu.memory_space<hbm>>
    tpu.enqueue_indirect_dma source(%dma_start3A_450 : memref<100000x64xf32, #tpu.memory_space<hbm>>) target(%dma_start3A_444 : memref<128x64xf32, #tpu.memory_space<vmem>>) offsets(%dma_start3A_447 : memref<128xi32, #tpu.memory_space<vmem>>) semaphore(%arg20 : memref<!tpu.dma_semaphore, #tpu.memory_space<semaphore_mem>>)
    %dma_wait3A_451 = arith.constant 0 : i32
    %dma_wait3A_452 = arith.constant 0 : i32
    %dma_wait3A_453 = arith.constant 0 : i32
    %dma_wait3A_454 = tpu.memref_slice %arg19[%dma_wait3A_452, %dma_wait3A_453] : memref<512x64xf32, #tpu.memory_space<vmem>> -> memref<128x64xf32, #tpu.memory_space<vmem>>
    %dma_wait3A_455 = arith.constant 0 : i32
    %dma_wait3A_456 = tpu.memref_slice %arg18[%dma_wait3A_451, %dma_wait3A_455] : memref<4x128xi32, #tpu.memory_space<vmem>> -> memref<1x128xi32, #tpu.memory_space<vmem>>
    %dma_wait3A_457 = tpu.memref_squeeze %dma_wait3A_456 : memref<1x128xi32, #tpu.memory_space<vmem>> -> memref<128xi32, #tpu.memory_space<vmem>>
    %dma_wait3A_458 = arith.constant 0 : i32
    %dma_wait3A_459 = arith.constant 0 : i32
    %dma_wait3A_460 = tpu.memref_slice %arg11[%dma_wait3A_458, %dma_wait3A_459] : memref<100000x64xf32, #tpu.memory_space<hbm>> -> memref<100000x64xf32, #tpu.memory_space<hbm>>
    tpu.wait_indirect_dma semaphore(%arg20 : memref<!tpu.dma_semaphore, #tpu.memory_space<semaphore_mem>>) src(%dma_wait3A_460 : memref<100000x64xf32, #tpu.memory_space<hbm>>) dst(%dma_wait3A_454 : memref<128x64xf32, #tpu.memory_space<vmem>>)
    %dma_wait3A_461 = arith.constant 1 : i32
    %dma_wait3A_462 = arith.constant 128 : i32
    %dma_wait3A_463 = arith.constant 0 : i32
    %dma_wait3A_464 = tpu.memref_slice %arg19[%dma_wait3A_462, %dma_wait3A_463] : memref<512x64xf32, #tpu.memory_space<vmem>> -> memref<128x64xf32, #tpu.memory_space<vmem>>
    %dma_wait3A_465 = arith.constant 0 : i32
    %dma_wait3A_466 = tpu.memref_slice %arg18[%dma_wait3A_461, %dma_wait3A_465] : memref<4x128xi32, #tpu.memory_space<vmem>> -> memref<1x128xi32, #tpu.memory_space<vmem>>
    %dma_wait3A_467 = tpu.memref_squeeze %dma_wait3A_466 : memref<1x128xi32, #tpu.memory_space<vmem>> -> memref<128xi32, #tpu.memory_space<vmem>>
    %dma_wait3A_468 = arith.constant 0 : i32
    %dma_wait3A_469 = arith.constant 0 : i32
    %dma_wait3A_470 = tpu.memref_slice %arg11[%dma_wait3A_468, %dma_wait3A_469] : memref<100000x64xf32, #tpu.memory_space<hbm>> -> memref<100000x64xf32, #tpu.memory_space<hbm>>
    tpu.wait_indirect_dma semaphore(%arg20 : memref<!tpu.dma_semaphore, #tpu.memory_space<semaphore_mem>>) src(%dma_wait3A_470 : memref<100000x64xf32, #tpu.memory_space<hbm>>) dst(%dma_wait3A_464 : memref<128x64xf32, #tpu.memory_space<vmem>>)
    %dma_wait3A_471 = arith.constant 2 : i32
    %dma_wait3A_472 = arith.constant 256 : i32
    %dma_wait3A_473 = arith.constant 0 : i32
    %dma_wait3A_474 = tpu.memref_slice %arg19[%dma_wait3A_472, %dma_wait3A_473] : memref<512x64xf32, #tpu.memory_space<vmem>> -> memref<128x64xf32, #tpu.memory_space<vmem>>
    %dma_wait3A_475 = arith.constant 0 : i32
    %dma_wait3A_476 = tpu.memref_slice %arg18[%dma_wait3A_471, %dma_wait3A_475] : memref<4x128xi32, #tpu.memory_space<vmem>> -> memref<1x128xi32, #tpu.memory_space<vmem>>
    %dma_wait3A_477 = tpu.memref_squeeze %dma_wait3A_476 : memref<1x128xi32, #tpu.memory_space<vmem>> -> memref<128xi32, #tpu.memory_space<vmem>>
    %dma_wait3A_478 = arith.constant 0 : i32
    %dma_wait3A_479 = arith.constant 0 : i32
    %dma_wait3A_480 = tpu.memref_slice %arg11[%dma_wait3A_478, %dma_wait3A_479] : memref<100000x64xf32, #tpu.memory_space<hbm>> -> memref<100000x64xf32, #tpu.memory_space<hbm>>
    tpu.wait_indirect_dma semaphore(%arg20 : memref<!tpu.dma_semaphore, #tpu.memory_space<semaphore_mem>>) src(%dma_wait3A_480 : memref<100000x64xf32, #tpu.memory_space<hbm>>) dst(%dma_wait3A_474 : memref<128x64xf32, #tpu.memory_space<vmem>>)
    %dma_wait3A_481 = arith.constant 3 : i32
    %dma_wait3A_482 = arith.constant 384 : i32
    %dma_wait3A_483 = arith.constant 0 : i32
    %dma_wait3A_484 = tpu.memref_slice %arg19[%dma_wait3A_482, %dma_wait3A_483] : memref<512x64xf32, #tpu.memory_space<vmem>> -> memref<128x64xf32, #tpu.memory_space<vmem>>
    %dma_wait3A_485 = arith.constant 0 : i32
    %dma_wait3A_486 = tpu.memref_slice %arg18[%dma_wait3A_481, %dma_wait3A_485] : memref<4x128xi32, #tpu.memory_space<vmem>> -> memref<1x128xi32, #tpu.memory_space<vmem>>
    %dma_wait3A_487 = tpu.memref_squeeze %dma_wait3A_486 : memref<1x128xi32, #tpu.memory_space<vmem>> -> memref<128xi32, #tpu.memory_space<vmem>>
    %dma_wait3A_488 = arith.constant 0 : i32
    %dma_wait3A_489 = arith.constant 0 : i32
    %dma_wait3A_490 = tpu.memref_slice %arg11[%dma_wait3A_488, %dma_wait3A_489] : memref<100000x64xf32, #tpu.memory_space<hbm>> -> memref<100000x64xf32, #tpu.memory_space<hbm>>
    tpu.wait_indirect_dma semaphore(%arg20 : memref<!tpu.dma_semaphore, #tpu.memory_space<semaphore_mem>>) src(%dma_wait3A_490 : memref<100000x64xf32, #tpu.memory_space<hbm>>) dst(%dma_wait3A_484 : memref<128x64xf32, #tpu.memory_space<vmem>>)
    %mul3A_491 = arith.constant 512 : i32
    %mul3A_492 = arith.muli %add3A, %mul3A_491 : i32
    "tpu.region"() ({
      %run_scoped3A = tpu.sem_alloc : memref<!tpu.dma_semaphore, #tpu.memory_space<semaphore_mem>>
      %dma_start3A_493 = arith.constant 0 : i32
      %dma_start3A_494 = tpu.memref_slice %arg17[%mul3A_492, %dma_start3A_493] : memref<16384x64xf32, #tpu.memory_space<hbm>> -> memref<512x64xf32, #tpu.memory_space<hbm>>
      %dma_start3A_495 = arith.constant 0 : i32
      %dma_start3A_496 = tpu.memref_slice %arg17[%mul3A_492, %dma_start3A_495] : memref<16384x64xf32, #tpu.memory_space<hbm>> -> memref<512x64xf32, #tpu.memory_space<hbm>>
      tpu.enqueue_dma source(%arg19 : memref<512x64xf32, #tpu.memory_space<vmem>>) target(%dma_start3A_496 : memref<512x64xf32, #tpu.memory_space<hbm>>) target_semaphore(%run_scoped3A : memref<!tpu.dma_semaphore, #tpu.memory_space<semaphore_mem>>)
      %dma_wait3A_497 = arith.constant 0 : i32
      %dma_wait3A_498 = tpu.memref_slice %arg17[%mul3A_492, %dma_wait3A_497] : memref<16384x64xf32, #tpu.memory_space<hbm>> -> memref<512x64xf32, #tpu.memory_space<hbm>>
      %dma_wait3A_499 = arith.constant 0 : i32
      %dma_wait3A_500 = tpu.memref_slice %arg17[%mul3A_492, %dma_wait3A_499] : memref<16384x64xf32, #tpu.memory_space<hbm>> -> memref<512x64xf32, #tpu.memory_space<hbm>>
      tpu.wait_dma2 semaphore(%run_scoped3A : memref<!tpu.dma_semaphore, #tpu.memory_space<semaphore_mem>>) src(%arg19 : memref<512x64xf32, #tpu.memory_space<vmem>>) dst(%dma_wait3A_500 : memref<512x64xf32, #tpu.memory_space<hbm>>)
      tpu.yield
    }) : () -> ()
    return
  }
}

module attributes {stable_mosaic.version = 14 : i64} {
  func.func @_tc_bcast_body(%arg0: i32, %arg1: memref<64x8xf32, #tpu.memory_space<vmem>>, %arg2: memref<64x2048xf32, #tpu.memory_space<vmem>>, %arg3: memref<64x2048xf32, #tpu.memory_space<vmem>>, %arg4: memref<64x2048xf32, #tpu.memory_space<vmem>>, %arg5: memref<64x2048xf32, #tpu.memory_space<vmem>>, %arg6: memref<64x2048xf32, #tpu.memory_space<vmem>>) attributes {dimension_semantics = [#tpu.dimension_semantics<arbitrary>], iteration_bounds = array<i64: 8>, scalar_prefetch = 0 : i64, scratch_operands = 0 : i64, tpu.core_type = #tpu.core_type<tc>, window_params = [{pipeline_mode = #tpu.pipeline_mode<synchronous>, transform_indices = @transform_0, window_bounds = array<i64: 64, 8>}, {transform_indices = @transform_1, window_bounds = array<i64: 64, 2048>}, {transform_indices = @transform_2, window_bounds = array<i64: 64, 2048>}, {transform_indices = @transform_3, window_bounds = array<i64: 64, 2048>}, {transform_indices = @transform_4, window_bounds = array<i64: 64, 2048>}, {transform_indices = @transform_5, window_bounds = array<i64: 64, 2048>}]} {
    %get3A = arith.constant 0 : index
    %get3A_0 = arith.constant 0 : index
    %get3A_1 = vector.load %arg1[%get3A, %get3A_0] : memref<64x8xf32, #tpu.memory_space<vmem>>, vector<64x8xf32>
    %slice3A = vector.extract_strided_slice %get3A_1 {offsets = [0, 0], sizes = [64, 1], strides = [1, 1]} : vector<64x8xf32> to vector<64x1xf32>
    %broadcast_in_dim3A = vector.shape_cast %slice3A : vector<64x1xf32> to vector<64x1xf32>
    %broadcast_in_dim3A_2 = vector.broadcast %broadcast_in_dim3A : vector<64x1xf32> to vector<64x2048xf32>
    %swap3A = arith.constant 0 : index
    %swap3A_3 = arith.constant 0 : index
    %swap3A_4 = vector.load %arg2[%swap3A, %swap3A_3] : memref<64x2048xf32, #tpu.memory_space<vmem>>, vector<64x2048xf32>
    tpu.vector_store %arg2[%swap3A, %swap3A_3], %broadcast_in_dim3A_2 {strides = array<i32>} : memref<64x2048xf32, #tpu.memory_space<vmem>>, vector<64x2048xf32>,
    %slice3A_5 = vector.extract_strided_slice %get3A_1 {offsets = [0, 1], sizes = [64, 1], strides = [1, 1]} : vector<64x8xf32> to vector<64x1xf32>
    %broadcast_in_dim3A_6 = vector.shape_cast %slice3A_5 : vector<64x1xf32> to vector<64x1xf32>
    %broadcast_in_dim3A_7 = vector.broadcast %broadcast_in_dim3A_6 : vector<64x1xf32> to vector<64x2048xf32>
    %swap3A_8 = arith.constant 0 : index
    %swap3A_9 = arith.constant 0 : index
    %swap3A_10 = vector.load %arg3[%swap3A_8, %swap3A_9] : memref<64x2048xf32, #tpu.memory_space<vmem>>, vector<64x2048xf32>
    tpu.vector_store %arg3[%swap3A_8, %swap3A_9], %broadcast_in_dim3A_7 {strides = array<i32>} : memref<64x2048xf32, #tpu.memory_space<vmem>>, vector<64x2048xf32>,
    %slice3A_11 = vector.extract_strided_slice %get3A_1 {offsets = [0, 2], sizes = [64, 1], strides = [1, 1]} : vector<64x8xf32> to vector<64x1xf32>
    %broadcast_in_dim3A_12 = vector.shape_cast %slice3A_11 : vector<64x1xf32> to vector<64x1xf32>
    %broadcast_in_dim3A_13 = vector.broadcast %broadcast_in_dim3A_12 : vector<64x1xf32> to vector<64x2048xf32>
    %swap3A_14 = arith.constant 0 : index
    %swap3A_15 = arith.constant 0 : index
    %swap3A_16 = vector.load %arg4[%swap3A_14, %swap3A_15] : memref<64x2048xf32, #tpu.memory_space<vmem>>, vector<64x2048xf32>
    tpu.vector_store %arg4[%swap3A_14, %swap3A_15], %broadcast_in_dim3A_13 {strides = array<i32>} : memref<64x2048xf32, #tpu.memory_space<vmem>>, vector<64x2048xf32>,
    %slice3A_17 = vector.extract_strided_slice %get3A_1 {offsets = [0, 3], sizes = [64, 1], strides = [1, 1]} : vector<64x8xf32> to vector<64x1xf32>
    %broadcast_in_dim3A_18 = vector.shape_cast %slice3A_17 : vector<64x1xf32> to vector<64x1xf32>
    %broadcast_in_dim3A_19 = vector.broadcast %broadcast_in_dim3A_18 : vector<64x1xf32> to vector<64x2048xf32>
    %swap3A_20 = arith.constant 0 : index
    %swap3A_21 = arith.constant 0 : index
    %swap3A_22 = vector.load %arg5[%swap3A_20, %swap3A_21] : memref<64x2048xf32, #tpu.memory_space<vmem>>, vector<64x2048xf32>
    tpu.vector_store %arg5[%swap3A_20, %swap3A_21], %broadcast_in_dim3A_19 {strides = array<i32>} : memref<64x2048xf32, #tpu.memory_space<vmem>>, vector<64x2048xf32>,
    %slice3A_23 = vector.extract_strided_slice %get3A_1 {offsets = [0, 4], sizes = [64, 1], strides = [1, 1]} : vector<64x8xf32> to vector<64x1xf32>
    %broadcast_in_dim3A_24 = vector.shape_cast %slice3A_23 : vector<64x1xf32> to vector<64x1xf32>
    %broadcast_in_dim3A_25 = vector.broadcast %broadcast_in_dim3A_24 : vector<64x1xf32> to vector<64x2048xf32>
    %swap3A_26 = arith.constant 0 : index
    %swap3A_27 = arith.constant 0 : index
    %swap3A_28 = vector.load %arg6[%swap3A_26, %swap3A_27] : memref<64x2048xf32, #tpu.memory_space<vmem>>, vector<64x2048xf32>
    tpu.vector_store %arg6[%swap3A_26, %swap3A_27], %broadcast_in_dim3A_25 {strides = array<i32>} : memref<64x2048xf32, #tpu.memory_space<vmem>>, vector<64x2048xf32>,
    return
  }
  func.func @transform_0(%arg0: i32) -> (i32, i32) {
    %c0_i32 = arith.constant 0 : i32
    %c0_i32_0 = arith.constant 0 : i32
    %c0_i32_1 = arith.constant 0 : i32
    return %c0_i32, %c0_i32_0 : i32, i32
  }
  func.func @transform_1(%arg0: i32) -> (i32, i32) {
    %c0_i32 = arith.constant 0 : i32
    %c0_i32_0 = arith.constant 0 : i32
    return %c0_i32, %arg0 : i32, i32
  }
  func.func @transform_2(%arg0: i32) -> (i32, i32) {
    %c0_i32 = arith.constant 0 : i32
    %c0_i32_0 = arith.constant 0 : i32
    return %c0_i32, %arg0 : i32, i32
  }
  func.func @transform_3(%arg0: i32) -> (i32, i32) {
    %c0_i32 = arith.constant 0 : i32
    %c0_i32_0 = arith.constant 0 : i32
    return %c0_i32, %arg0 : i32, i32
  }
  func.func @transform_4(%arg0: i32) -> (i32, i32) {
    %c0_i32 = arith.constant 0 : i32
    %c0_i32_0 = arith.constant 0 : i32
    return %c0_i32, %arg0 : i32, i32
  }
  func.func @transform_5(%arg0: i32) -> (i32, i32) {
    %c0_i32 = arith.constant 0 : i32
    %c0_i32_0 = arith.constant 0 : i32
    return %c0_i32, %arg0 : i32, i32
  }
}

</mosaic_0001>

<sc_bundles>
// kernel: kernel.4.cloned.1.call-start
scs
__scs_entry_jumppad:
0x0: {  	(pc) =	sbr.rel $0x88, $3  }
0x1: {  	(tag) =	ssettag $0x0;
	lr =	simm.s32 $0x1  }
0x2: {  	[smem:$0x3F96] =	sst lr;
	_ =	strace $0xD0000000  }
0x3: {  	_ = 	snop  }
0x4: {  	_ = 	snop  }
0x5: {  	_ = 	snop  }
0x6: {  	_ = 	snop  }
0x7: {  	_ = 	snop  }
__scs_overlays_trampoline_lowered:
0x8: {  	[smem:$0x3FA5] =	sst s0  }
0x9: {  	[smem:$0x3FA6] =	sst s1  }
0xa: {  	[smem:$0x3FA7] =	sst s2  }
0xb: {  	[smem:$0x3FA8] =	sst s3  }
0xc: {  	[smem:$0x3FA9] =	sst s4  }
0xd: {  	[smem:$0x3FAA] =	sst s5  }
0xe: {  	[smem:$0x3FAB] =	sst s6  }
0xf: {  	[smem:$0x3FAC] =	sst s7  }
0x10: {  	[smem:$0x3FAD] =	sst s8  }
0x11: {  	[smem:$0x3FAE] =	sst s9;
	s0 =	simm.s32 @!p0 $0x0  }
0x12: {  	s1 =	sld [smem:$0x3F94];
	s0 =	simm.s32 @p0 $0x1  }
0x13: {  	[smem:$0x3FAF] =	sst s0;
	s0 =	simm.s32 @!p1 $0x0  }
0x14: {  	s2 =	sld [smem:$0x3F93];
	s0 =	simm.s32 @p1 $0x1  }
0x15: {  	[smem:$0x3FB0] =	sst s0;
	s0 =	simm.s32 @!p2 $0x0  }
0x16: {  	s3 =	sld [smem:$0x3FDB];
	s0 =	simm.s32 @p2 $0x1  }
0x17: {  	s4 =	simm.s32 $0x1BF5;
	[smem:$0x3FB2] =	sst s0  }
0x18: {  	s0 =	sld [smem:$0x3F95];
	_ =	swait.ge [sflag:s4], $0x0  }
0x19: {  	s7 =	sld [smem:$0x3F96]  }
0x1a: {  	s8 =	sadd.s32 $0xFFFFE003, lr  }
0x1b: {  	s9 =	sadd.s32 $0xFFFFFEF7, lr;
	s5 =	simm.s32 $0xFFFFFFFF;
	p2 =	slt.u32 s8, $0xFFFFF086  }
0x1c: {  	p1 =	slt.u32 s9, $0xF7A;
	s5 =	simm.s32 @!p2 $0x0  }
0x1d: {  	s5 =	simm.s32 @p1 $0x1;
	p0 =	seq.s32 s7, s2  }
0x1e: {  	s7 =	smul.u32 @!p0 $0xF7A, s2;
	p2 =	seq.s32 @!p0 s5, $0x0  }
0x1f: {  	s9 =	smul.u32 $0xF7A, s1;
	s8 =	simm.s32 @!p0 $0x1BF5;
	p2 =	por !p2, p0  }
0x20: {  	[sflag:s8] =	ssyncset.s32 @!p0 $0xFFFFF086;
	s6 =	sadd.s32 @!p0 s3, s7;
	s7 =	simm.s32 @!p0 $0x108  }
0x21: {  	s3 =	sadd.s32 s3, s9;
	s6 =	sadd.s32 @!p0 $0x88, s6;
	s7 =	simm.s32 @p2 $0x1082  }
0x22: {  	[simem:s7], [sflag:s8] =	dma.local @!p0 [hbm:s6], $0xF7A  }
0x23: {  	s9 =	sor.u32 $0xD0000000, s2;
	s6 =	simm.s32 $0x108;
	_ =	swait.ge @!p0 [sflag:s8], $0x0  }
0x24: {  	s3 =	sadd.s32 $0x88, s3;
	s6 =	simm.s32 @!p1 $0x1082;
	[sflag:s4] =	ssyncset.s32 $0xFFFFF086  }
0x25: {  	[simem:s6], [sflag:s4] =	dma.local [hbm:s3], $0xF7A  }
0x26: {  	[smem:$0x3F96] =	sst s1;
	(tag) =	ssettag s2;
	_ =	strace s9  }
0x27: {  	s1 =	sld [smem:$0x3FA6]  }
0x28: {  	s2 =	sld [smem:$0x3FA7]  }
0x29: {  	s4 =	sld [smem:$0x3FA9]  }
0x2a: {  	p0 =	seq.s32 s5, $0x0;
	s5 =	sld [smem:$0x3FAA]  }
0x2b: {  	s6 =	sld [smem:$0x3FAB]  }
0x2c: {  	s7 =	sld [smem:$0x3FAC]  }
0x2d: {  	s3 =	simm.s32 $0x108;
	s8 =	sld [smem:$0x3FAD]  }
0x2e: {  	s3 =	simm.s32 @!p0 $0x1082;
	s9 =	sld [smem:$0x3FAE]  }
0x2f: {  	lr =	sadd.s32 s0, s3;
	s0 =	sld [smem:$0x3FA5]  }
0x30: {  	s3 =	sld [smem:$0x3FA8]  }
0x31: {  	[smem:$0x3FB1] =	sst s10  }
0x32: {  	s10 =	sld [smem:$0x3FAF];
	_ =	sdelay $0x3  }
0x33: {  	p0 =	seq.s32 s10, $0x1;
	s10 =	sld [smem:$0x3FB1];
	_ =	sdelay $0x3  }
0x34: {  	[smem:$0x3FB1] =	sst s10  }
0x35: {  	s10 =	sld [smem:$0x3FB0];
	_ =	sdelay $0x3  }
0x36: {  	p1 =	seq.s32 s10, $0x1;
	s10 =	sld [smem:$0x3FB1];
	_ =	sdelay $0x3  }
0x37: {  	[smem:$0x3FB1] =	sst s10  }
0x38: {  	s10 =	sld [smem:$0x3FB2]  }
0x39: {  	_ = 	snop;
	(pc) =	sbr.ind lr, $3  }
0x3a: {  	_ = 	snop  }
0x3b: {  	_ = 	snop  }
0x3c: {  	p2 =	seq.s32 s10, $0x1;
	s10 =	sld [smem:$0x3FB1]  }
0x3d: {  	_ =	shalt  }
0x3e: {  	_ =	shalt  }
0x3f: {  	_ =	shalt  }
0x40: {  	_ =	shalt  }
0x41: {  	_ =	shalt  }
0x42: {  	_ =	shalt  }
0x43: {  	_ =	shalt  }
0x44: {  	_ =	shalt  }
0x45: {  	_ =	shalt  }
0x46: {  	_ =	shalt  }
0x47: {  	_ =	shalt  }
0x48: {  	_ =	shalt  }
0x49: {  	_ =	shalt  }
0x4a: {  	_ =	shalt  }
0x4b: {  	_ =	shalt  }
0x4c: {  	_ =	shalt  }
0x4d: {  	_ =	shalt  }
0x4e: {  	_ =	shalt  }
0x4f: {  	_ =	shalt  }
0x50: {  	_ =	shalt  }
0x51: {  	_ =	shalt  }
0x52: {  	_ =	shalt  }
0x53: {  	_ =	shalt  }
0x54: {  	_ =	shalt  }
0x55: {  	_ =	shalt  }
0x56: {  	_ =	shalt  }
0x57: {  	_ =	shalt  }
0x58: {  	_ =	shalt  }
0x59: {  	_ =	shalt  }
0x5a: {  	_ =	shalt  }
0x5b: {  	_ =	shalt  }
0x5c: {  	_ =	shalt  }
0x5d: {  	_ =	shalt  }
0x5e: {  	_ =	shalt  }
0x5f: {  	_ =	shalt  }
0x60: {  	_ =	shalt  }
0x61: {  	_ =	shalt  }
0x62: {  	_ =	shalt  }
0x63: {  	_ =	shalt  }
0x64: {  	_ =	shalt  }
0x65: {  	_ =	shalt  }
0x66: {  	_ =	shalt  }
0x67: {  	_ =	shalt  }
0x68: {  	_ =	shalt  }
0x69: {  	_ =	shalt  }
0x6a: {  	_ =	shalt  }
0x6b: {  	_ =	shalt  }
0x6c: {  	_ =	shalt  }
0x6d: {  	_ =	shalt  }
0x6e: {  	_ =	shalt  }
0x6f: {  	_ =	shalt  }
0x70: {  	_ =	shalt  }
0x71: {  	_ =	shalt  }
0x72: {  	_ =	shalt  }
0x73: {  	_ =	shalt  }
0x74: {  	_ =	shalt  }
0x75: {  	_ =	shalt  }
0x76: {  	_ =	shalt  }
0x77: {  	_ =	shalt  }
0x78: {  	_ =	shalt  }
0x79: {  	_ =	shalt  }
0x7a: {  	_ =	shalt  }
0x7b: {  	_ =	shalt  }
0x7c: {  	_ =	shalt  }
0x7d: {  	_ =	shalt  }
0x7e: {  	_ =	shalt  }
0x7f: {  	_ =	shalt  }
0x80: {  	_ =	shalt  }
0x81: {  	_ =	shalt  }
0x82: {  	_ =	shalt  }
0x83: {  	_ =	shalt  }
0x84: {  	_ =	shalt  }
0x85: {  	_ =	shalt  }
0x86: {  	_ =	shalt  }
0x87: {  	_ =	shalt  }
.Lfunc_end0:
.L_simem_size_0:
called_computation_lowered:
.L_overlay_start_0:
0x88: {  	s2 =	sld [smem:$0x3FD9]  }
0x89: {  	s3 =	sld [smem:$0x3FFE];
	_ =	sdelay $0x1  }
0x8a: {  	s1 =	srdreg.scid  }
0x8b: {  	s0 =	sand.u32 $0x1, s1  }
0x8c: {  	s30 =	sshll.u32 s0, $0xA;
	s2 =	sadd.s32 s3, s2  }
0x8d: {  	s2 =	sadd.s32 s2, s30  }
0x8e: {  	[smem:$0x3FBD] =	sst s2  }
0x8f: {  	_ = 	snop  }
0x90: {  	s2 =	sld [smem:$0x3FC9]  }
0x91: {  	s31 =	sld [smem:$0x3FC8]  }
0x92: {  	s4 =	sld [smem:$0x3FC7]  }
0x93: {  	s5 =	sld [smem:$0x3FD0]  }
0x94: {  	s6 =	sld [smem:$0x3FC6]  }
0x95: {  	s7 =	sld [smem:$0x3FC5]  }
0x96: {  	s9 =	simm.s32 $0xA;
	s10 =	simm.s32 $0x10;
	s8 =	sld [smem:$0x3FC4]  }
0x97: {  	[smem:s10], [sflag:s9] =	dma.local [hbm:s5], $0x1  }
0x98: {  	_ =	swait.eq [sflag:s9], $0x1  }
0x99: {  	s16 =	sld [smem:$0x13];
	[sflag:s9] =	ssyncset.done $0x0  }
0x9a: {  	s17 =	sld [smem:$0x14];
	[sflag:s9] =	ssyncadd.s32 $0xFFFFFFFF  }
0x9b: {  	s18 =	sld [smem:$0x15];
	(tm) =	ssettm $0x1  }
0x9c: {  	s11 =	sld [smem:$0x3FFB];
	_ =	sdelay $0x3  }
0x9d: {  	_ =	strace s11  }
0x9e: {  	s11 =	sld [smem:$0x3FFC];
	_ =	sdelay $0x3  }
0x9f: {  	_ =	strace s11  }
0xa0: {  	s11 =	sld [smem:$0x3FFD];
	_ =	sdelay $0x3  }
0xa1: {  	_ =	strace s11  }
0xa2: {  	_ =	strace $0x8FFFFFFF  }
0xa3: {  	s19 =	sld [smem:$0x3FDB];
	_ =	sdelay $0x1  }
0xa4: {  	s12 =	simm.s32 $_scs_section_size  }
0xa5: {  	s13 =	simm.s32 $_size__tile_overlayer_lowered;
	s14 =	simm.s32 $_tile_overlayer_lowered  }
0xa6: {  	s22 =	simm.s32 $0x1BFF;
	s21 =	sshll.u32 s14, $0x1;
	s11 =	sadd.s32 s12, s19  }
0xa7: {  	s15 =	simm.s32 $0x0;
	s20 =	sshll.u32 s13, $0x1;
	s13 =	sadd.s32 s21, s11  }
0xa8: {  	[timem:s15], [sflag:s22] =	dma.local [hbm:s13], s20  }
0xa9: {  	_ =	swait.ge [sflag:s22], s20  }
0xaa: {  	s12 =	ssub.s32 $0x0, s20;
	[sflag:s22] =	ssyncset.done $0x0  }
0xab: {  	[sflag:s22] =	ssyncadd.s32 s12;
	_ =	sdelay $0x1  }
0xac: {  	s23 =	simm.s32 $0x1B8B  }
0xad: {  	_ =	swait.ge [sflag:s23], $0x1  }
0xae: {  	[sflag:s23] =	ssyncset.done $0x0  }
0xaf: {  	s25 =	simm.s32 $0x1B8E;
	s24 =	sld [smem:$0x3FFE];
	[sflag:s23] =	ssyncadd.s32 $0xFFFFFFFF  }
0xb0: {  	s26 =	simm.s32 $execute0_lowered;
	[smem:$0x3FD2] =	sst s25  }
0xb1: {  	s13 =	sshll.u32 s26, $0x1;
	_ =	strace $0x80000046;
	[dreg:$0x1] =	wrdreg $0xFFFFFFFF  }
0xb2: {  	s28 =	simm.s32 $_size_execute0_lowered;
	s11 =	sadd.s32 s11, s13;
	[dreg:$0x0] =	wrdreg $0x0  }
0xb3: {  	s13 =	sshll.u32 s28, $0x1;
	[dreg:$0x2] =	wrdreg s11  }
0xb4: {  	[dreg:$0x3] =	wrdreg s13  }
0xb5: {  	[dreg:$0x4] =	wrdreg $0xC0  }
0xb6: {  	_ =	task [dreg:s15], $0x5FFFF  }
0xb7: {  	[dreg:$0x1] =	wrdreg $0xFFFFFFFF  }
0xb8: {  	[dreg:$0x0] =	wrdreg $0x60  }
0xb9: {  	[dreg:$0x2] =	wrdreg s2  }
0xba: {  	[dreg:$0x3] =	wrdreg s31  }
0xbb: {  	[dreg:$0x4] =	wrdreg s4  }
0xbc: {  	[dreg:$0x5] =	wrdreg s6  }
0xbd: {  	[dreg:$0x6] =	wrdreg s7  }
0xbe: {  	[dreg:$0x7] =	wrdreg s8  }
0xbf: {  	[dreg:$0x8] =	wrdreg s24  }
0xc0: {  	[dreg:$0x9] =	wrdreg s18  }
0xc1: {  	[dreg:$0xa] =	wrdreg s17  }
0xc2: {  	[dreg:$0xb] =	wrdreg s16  }
0xc3: {  	[dreg:$0xc] =	wrdreg $0x9  }
0xc4: {  	_ =	task.clear_ibuf [dreg:s15], $0xDFFFF;
	_ =	strace $0x90000046  }
0xc5: {  	s29 =	simm.s32 $0x9;
	_ =	strace $0x80000048  }
0xc6: {  	_ =	swait.ge [sflag:s29], $0x1  }
0xc7: {  	[sflag:s29] =	ssyncadd.s32 $0xFFFFFFFF  }
0xc8: {  	_ =	strace $0x90000048  }
0xc9: {  	_ =	sfence  }
0xca: {  	s30 =	sld [smem:$0x0];
	_ =	sdelay $0x2  }
0xcb: {  	s31 =	sshll.u32 s1, $0xD;
	s1 =	sshrl.u32 s1, $0x2  }
0xcc: {  	s3 =	sand.u32 $0x4000, s31;
	s1 =	sadd.s32 s1, s30  }
0xcd: {  	s0 =	sor.u32 s3, s0;
	s1 =	sshll.u32 s1, $0x11  }
0xce: {  	s0 =	sor.u32 s1, s0  }
0xcf: {  	s0 =	sadd.s32 $0x8F2B, s0  }
0xd0: {  	[sflag:s0] =	ssyncadd.remote.s32 $0x1  }
0xd1: {  	_ =	sfence.sel $0xFFFF  }
0xd2: {  	[dreg:$0x0] =	wrdreg $0xFFFFFFFF;
	(pc) =	sbr.abs _section_cstart, $3  }
0xd3: {  	[dreg:$0x1] =	wrdreg $0xFFFFFFFF  }
0xd4: {  	_ =	task.clear_ibuf [dreg:s15], $0x2FFFF;
	_ =	strace $0x9FFFFFFF  }
0xd5: {  	(tm) =	ssettm $0x7FFFFFFF  }
tec
execute0_lowered:
.L_overlay_start_1:
0x0: {  	(tag) =	ssettag $0x1  }
0x1: {  	s3 =	rddreg [dreg:$0x0]  }
0x2: {  	s15 =	rddreg [dreg:$0x1]  }
0x3: {  	s18 =	rddreg [dreg:$0x2]  }
0x4: {  	s20 =	rddreg [dreg:$0x3]  }
0x5: {  	s22 =	rddreg [dreg:$0x4]  }
0x6: {  	s25 =	rddreg [dreg:$0x5]  }
0x7: {  	s26 =	rddreg [dreg:$0x6]  }
0x8: {  	s14 =	rddreg [dreg:$0x7]  }
0x9: {  	s17 =	rddreg [dreg:$0x8]  }
0xa: {  	s1 =	srdreg.scid;
	s0 =	stileid.u32  }
0xb: {  	s19 =	rddreg [dreg:$0x9];
	s28 =	sand.u32 $0x1, s1;
	s4 =	sshll.u32 s0, $0x1  }
0xc: {  	s2 =	simm.s32 $0x0;
	s1 =	rddreg [dreg:$0xa];
	s16 =	sor.u32 s28, s4  }
0xd: {  	[smem:$0x7FF] =	sst s2;
	s29 =	sshll.u32 s16, $0x6  }
0xe: {  	_ =	strace $0x80000047;
	s4 =	sadd.s32 s3, s29;
	s3 =	simm.s32 $0x2  }
0xf: {  	[tilespmem:s2], [sflag:$0x2] =	stream.linear.gather [hbm4b:s4+s2], $0x200, $0x38;
	[tilespmem:$0x8200] =	vst v63  }
0x10: {  	_ =	swait.ge [sflag:s3], $0x200  }
0x11: {  	s6 =	simm.s32 $0x80;
	[sflag:s3] =	ssyncset.done $0x0  }
0x12: {  	s7 =	simm.s32 $0x200;
	s5 =	sadd.s32 $0x16E6400, s26;
	[sflag:s3] =	ssyncadd.s32 $0xFFFFFE00  }
0x13: {  	[tilespmem:s7], [sflag:$0x1] =	stream.indirect.gather [hbm4b:s5+s6], $0x40, s2, s6, $0xb8;
	[tilespmem:$0x8200] =	vst v63  }
0x14: {  	s8 =	simm.s32 $0x2200  }
0x15: {  	[tilespmem:s8], [sflag:$0x1] =	stream.indirect.gather [hbm4b:s5+s6], $0x40, s6, s6, $0xb8;
	[tilespmem:$0x8200] =	vst v63  }
0x16: {  	s9 =	simm.s32 $0x100;
	s10 =	simm.s32 $0x4200  }
0x17: {  	[tilespmem:s10], [sflag:$0x1] =	stream.indirect.gather [hbm4b:s5+s6], $0x40, s9, s6, $0xb8;
	[tilespmem:$0x8200] =	vst v63  }
0x18: {  	s11 =	simm.s32 $0x180;
	s12 =	simm.s32 $0x6200;
	s13 =	simm.s32 $0x1  }
0x19: {  	[tilespmem:s12], [sflag:$0x1] =	stream.indirect.gather [hbm4b:s5+s6], $0x40, s11, s6, $0xb8;
	[tilespmem:$0x8200] =	vst v63  }
0x1a: {  	_ =	swait.ge [sflag:s13], $0x2000  }
0x1b: {  	[sflag:s13] =	ssyncset.done $0x0  }
0x1c: {  	[sflag:s13] =	ssyncadd.s32 $0xFFFFE000  }
0x1d: {  	_ =	swait.ge [sflag:s13], $0x2000  }
0x1e: {  	[sflag:s13] =	ssyncset.done $0x0  }
0x1f: {  	[sflag:s13] =	ssyncadd.s32 $0xFFFFE000  }
0x20: {  	_ =	swait.ge [sflag:s13], $0x2000  }
0x21: {  	[sflag:s13] =	ssyncset.done $0x0  }
0x22: {  	[sflag:s13] =	ssyncadd.s32 $0xFFFFE000  }
0x23: {  	_ =	swait.ge [sflag:s13], $0x2000  }
0x24: {  	s21 =	sshll.u32 s16, $0xC;
	[sflag:s13] =	ssyncset.done $0x0  }
0x25: {  	s14 =	sadd.s32 s14, s21;
	[sflag:s13] =	ssyncadd.s32 $0xFFFFE000  }
0x26: {  	[hbm4b:s14+s2] =	stream.linear.scatter [tilespmem:s7], [sflag:$0x2], $0x8000, $0x38;
	[tilespmem:$0x8200] =	vst v63  }
0x27: {  	_ =	swait.ge [sflag:s3], $0x8000  }
0x28: {  	[sflag:s3] =	ssyncset.done $0x0  }
0x29: {  	s15 =	sadd.s32 s15, s29;
	[sflag:s3] =	ssyncadd.s32 $0xFFFF8000  }
0x2a: {  	[tilespmem:s2], [sflag:$0x2] =	stream.linear.gather [hbm4b:s15+s2], $0x200, $0x38;
	[tilespmem:$0x8200] =	vst v63  }
0x2b: {  	_ =	swait.ge [sflag:s3], $0x200  }
0x2c: {  	[sflag:s3] =	ssyncset.done $0x0  }
0x2d: {  	s16 =	sadd.s32 $0xF45200, s26;
	[sflag:s3] =	ssyncadd.s32 $0xFFFFFE00  }
0x2e: {  	[tilespmem:s7], [sflag:$0x1] =	stream.indirect.gather [hbm4b:s16+s6], $0x40, s2, s6, $0xb8;
	[tilespmem:$0x8200] =	vst v63  }
0x2f: {  	_ = 	snop  }
0x30: {  	[tilespmem:s8], [sflag:$0x1] =	stream.indirect.gather [hbm4b:s16+s6], $0x40, s6, s6, $0xb8;
	[tilespmem:$0x8200] =	vst v63  }
0x31: {  	_ = 	snop  }
0x32: {  	[tilespmem:s10], [sflag:$0x1] =	stream.indirect.gather [hbm4b:s16+s6], $0x40, s9, s6, $0xb8;
	[tilespmem:$0x8200] =	vst v63  }
0x33: {  	_ = 	snop  }
0x34: {  	[tilespmem:s12], [sflag:$0x1] =	stream.indirect.gather [hbm4b:s16+s6], $0x40, s11, s6, $0xb8;
	[tilespmem:$0x8200] =	vst v63  }
0x35: {  	_ =	swait.ge [sflag:s13], $0x2000  }
0x36: {  	[sflag:s13] =	ssyncset.done $0x0  }
0x37: {  	[sflag:s13] =	ssyncadd.s32 $0xFFFFE000  }
0x38: {  	_ =	swait.ge [sflag:s13], $0x2000  }
0x39: {  	[sflag:s13] =	ssyncset.done $0x0  }
0x3a: {  	[sflag:s13] =	ssyncadd.s32 $0xFFFFE000  }
0x3b: {  	_ =	swait.ge [sflag:s13], $0x2000  }
0x3c: {  	[sflag:s13] =	ssyncset.done $0x0  }
0x3d: {  	[sflag:s13] =	ssyncadd.s32 $0xFFFFE000  }
0x3e: {  	_ =	swait.ge [sflag:s13], $0x2000  }
0x3f: {  	[sflag:s13] =	ssyncset.done $0x0  }
0x40: {  	s17 =	sadd.s32 s17, s21;
	[sflag:s13] =	ssyncadd.s32 $0xFFFFE000  }
0x41: {  	[hbm4b:s17+s2] =	stream.linear.scatter [tilespmem:s7], [sflag:$0x2], $0x8000, $0x38;
	[tilespmem:$0x8200] =	vst v63  }
0x42: {  	_ =	swait.ge [sflag:s3], $0x8000  }
0x43: {  	[sflag:s3] =	ssyncset.done $0x0  }
0x44: {  	s18 =	sadd.s32 s18, s29;
	[sflag:s3] =	ssyncadd.s32 $0xFFFF8000  }
0x45: {  	[tilespmem:s2], [sflag:$0x2] =	stream.linear.gather [hbm4b:s18+s2], $0x200, $0x38;
	[tilespmem:$0x8200] =	vst v63  }
0x46: {  	_ =	swait.ge [sflag:s3], $0x200  }
0x47: {  	[sflag:s3] =	ssyncset.done $0x0  }
0x48: {  	[sflag:s3] =	ssyncadd.s32 $0xFFFFFE00  }
0x49: {  	[tilespmem:s7], [sflag:$0x1] =	stream.indirect.gather [hbm4b:s16+s6], $0x40, s2, s6, $0xb8;
	[tilespmem:$0x8200] =	vst v63  }
0x4a: {  	_ = 	snop  }
0x4b: {  	[tilespmem:s8], [sflag:$0x1] =	stream.indirect.gather [hbm4b:s16+s6], $0x40, s6, s6, $0xb8;
	[tilespmem:$0x8200] =	vst v63  }
0x4c: {  	_ = 	snop  }
0x4d: {  	[tilespmem:s10], [sflag:$0x1] =	stream.indirect.gather [hbm4b:s16+s6], $0x40, s9, s6, $0xb8;
	[tilespmem:$0x8200] =	vst v63  }
0x4e: {  	_ = 	snop  }
0x4f: {  	[tilespmem:s12], [sflag:$0x1] =	stream.indirect.gather [hbm4b:s16+s6], $0x40, s11, s6, $0xb8;
	[tilespmem:$0x8200] =	vst v63  }
0x50: {  	_ =	swait.ge [sflag:s13], $0x2000  }
0x51: {  	[sflag:s13] =	ssyncset.done $0x0  }
0x52: {  	[sflag:s13] =	ssyncadd.s32 $0xFFFFE000  }
0x53: {  	_ =	swait.ge [sflag:s13], $0x2000  }
0x54: {  	[sflag:s13] =	ssyncset.done $0x0  }
0x55: {  	[sflag:s13] =	ssyncadd.s32 $0xFFFFE000  }
0x56: {  	_ =	swait.ge [sflag:s13], $0x2000  }
0x57: {  	[sflag:s13] =	ssyncset.done $0x0  }
0x58: {  	[sflag:s13] =	ssyncadd.s32 $0xFFFFE000  }
0x59: {  	_ =	swait.ge [sflag:s13], $0x2000  }
0x5a: {  	[sflag:s13] =	ssyncset.done $0x0  }
0x5b: {  	s19 =	sadd.s32 s19, s21;
	[sflag:s13] =	ssyncadd.s32 $0xFFFFE000  }
0x5c: {  	[hbm4b:s19+s2] =	stream.linear.scatter [tilespmem:s7], [sflag:$0x2], $0x8000, $0x38;
	[tilespmem:$0x8200] =	vst v63  }
0x5d: {  	_ =	swait.ge [sflag:s3], $0x8000  }
0x5e: {  	[sflag:s3] =	ssyncset.done $0x0  }
0x5f: {  	s20 =	sadd.s32 s20, s29;
	[sflag:s3] =	ssyncadd.s32 $0xFFFF8000  }
0x60: {  	[tilespmem:s2], [sflag:$0x2] =	stream.linear.gather [hbm4b:s20+s2], $0x200, $0x38;
	[tilespmem:$0x8200] =	vst v63  }
0x61: {  	_ =	swait.ge [sflag:s3], $0x200  }
0x62: {  	[sflag:s3] =	ssyncset.done $0x0  }
0x63: {  	[sflag:s3] =	ssyncadd.s32 $0xFFFFFE00  }
0x64: {  	[tilespmem:s7], [sflag:$0x1] =	stream.indirect.gather [hbm4b:s5+s6], $0x40, s2, s6, $0xb8;
	[tilespmem:$0x8200] =	vst v63  }
0x65: {  	_ = 	snop  }
0x66: {  	[tilespmem:s8], [sflag:$0x1] =	stream.indirect.gather [hbm4b:s5+s6], $0x40, s6, s6, $0xb8;
	[tilespmem:$0x8200] =	vst v63  }
0x67: {  	_ = 	snop  }
0x68: {  	[tilespmem:s10], [sflag:$0x1] =	stream.indirect.gather [hbm4b:s5+s6], $0x40, s9, s6, $0xb8;
	[tilespmem:$0x8200] =	vst v63  }
0x69: {  	_ = 	snop  }
0x6a: {  	[tilespmem:s12], [sflag:$0x1] =	stream.indirect.gather [hbm4b:s5+s6], $0x40, s11, s6, $0xb8;
	[tilespmem:$0x8200] =	vst v63  }
0x6b: {  	_ =	swait.ge [sflag:s13], $0x2000  }
0x6c: {  	[sflag:s13] =	ssyncset.done $0x0  }
0x6d: {  	[sflag:s13] =	ssyncadd.s32 $0xFFFFE000  }
0x6e: {  	_ =	swait.ge [sflag:s13], $0x2000  }
0x6f: {  	[sflag:s13] =	ssyncset.done $0x0  }
0x70: {  	[sflag:s13] =	ssyncadd.s32 $0xFFFFE000  }
0x71: {  	_ =	swait.ge [sflag:s13], $0x2000  }
0x72: {  	[sflag:s13] =	ssyncset.done $0x0  }
0x73: {  	[sflag:s13] =	ssyncadd.s32 $0xFFFFE000  }
0x74: {  	_ =	swait.ge [sflag:s13], $0x2000  }
0x75: {  	s30 =	sadd.s32 s21, s26;
	[sflag:s13] =	ssyncset.done $0x0  }
0x76: {  	s21 =	sadd.s32 $0x2E00, s30;
	[sflag:s13] =	ssyncadd.s32 $0xFFFFE000  }
0x77: {  	[hbm4b:s21+s2] =	stream.linear.scatter [tilespmem:s7], [sflag:$0x2], $0x8000, $0x38;
	[tilespmem:$0x8200] =	vst v63  }
0x78: {  	_ =	swait.ge [sflag:s3], $0x8000  }
0x79: {  	[sflag:s3] =	ssyncset.done $0x0  }
0x7a: {  	s22 =	sadd.s32 s22, s29;
	[sflag:s3] =	ssyncadd.s32 $0xFFFF8000  }
0x7b: {  	[tilespmem:s2], [sflag:$0x2] =	stream.linear.gather [hbm4b:s22+s2], $0x200, $0x38;
	[tilespmem:$0x8200] =	vst v63  }
0x7c: {  	_ =	swait.ge [sflag:s3], $0x200  }
0x7d: {  	[sflag:s3] =	ssyncset.done $0x0  }
0x7e: {  	s23 =	sadd.s32 $0x24CE00, s26;
	[sflag:s3] =	ssyncadd.s32 $0xFFFFFE00  }
0x7f: {  	[tilespmem:s7], [sflag:$0x1] =	stream.indirect.gather [hbm4b:s23+s6], $0x40, s2, s6, $0xb8;
	[tilespmem:$0x8200] =	vst v63  }
0x80: {  	_ = 	snop  }
0x81: {  	[tilespmem:s8], [sflag:$0x1] =	stream.indirect.gather [hbm4b:s23+s6], $0x40, s6, s6, $0xb8;
	[tilespmem:$0x8200] =	vst v63  }
0x82: {  	_ = 	snop  }
0x83: {  	[tilespmem:s10], [sflag:$0x1] =	stream.indirect.gather [hbm4b:s23+s6], $0x40, s9, s6, $0xb8;
	[tilespmem:$0x8200] =	vst v63  }
0x84: {  	_ = 	snop  }
0x85: {  	[tilespmem:s12], [sflag:$0x1] =	stream.indirect.gather [hbm4b:s23+s6], $0x40, s11, s6, $0xb8;
	[tilespmem:$0x8200] =	vst v63  }
0x86: {  	_ =	swait.ge [sflag:s13], $0x2000  }
0x87: {  	[sflag:s13] =	ssyncset.done $0x0  }
0x88: {  	[sflag:s13] =	ssyncadd.s32 $0xFFFFE000  }
0x89: {  	_ =	swait.ge [sflag:s13], $0x2000  }
0x8a: {  	[sflag:s13] =	ssyncset.done $0x0  }
0x8b: {  	[sflag:s13] =	ssyncadd.s32 $0xFFFFE000  }
0x8c: {  	_ =	swait.ge [sflag:s13], $0x2000  }
0x8d: {  	[sflag:s13] =	ssyncset.done $0x0  }
0x8e: {  	[sflag:s13] =	ssyncadd.s32 $0xFFFFE000  }
0x8f: {  	_ =	swait.ge [sflag:s13], $0x2000  }
0x90: {  	[sflag:s13] =	ssyncset.done $0x0  }
0x91: {  	s24 =	sadd.s32 $0x22E00, s30;
	[sflag:s13] =	ssyncadd.s32 $0xFFFFE000  }
0x92: {  	[hbm4b:s24+s2] =	stream.linear.scatter [tilespmem:s7], [sflag:$0x2], $0x8000, $0x38;
	[tilespmem:$0x8200] =	vst v63  }
0x93: {  	_ =	swait.ge [sflag:s3], $0x8000  }
0x94: {  	[sflag:s3] =	ssyncset.done $0x0  }
0x95: {  	s25 =	sadd.s32 s25, s29;
	[sflag:s3] =	ssyncadd.s32 $0xFFFF8000  }
0x96: {  	[tilespmem:s2], [sflag:$0x2] =	stream.linear.gather [hbm4b:s25+s2], $0x200, $0x38;
	[tilespmem:$0x8200] =	vst v63  }
0x97: {  	_ =	swait.ge [sflag:s3], $0x200  }
0x98: {  	[sflag:s3] =	ssyncset.done $0x0  }
0x99: {  	s26 =	sadd.s32 $0x189800, s26;
	[sflag:s3] =	ssyncadd.s32 $0xFFFFFE00  }
0x9a: {  	[tilespmem:s7], [sflag:$0x1] =	stream.indirect.gather [hbm4b:s26+s6], $0x40, s2, s6, $0xb8;
	[tilespmem:$0x8200] =	vst v63  }
0x9b: {  	_ = 	snop  }
0x9c: {  	[tilespmem:s8], [sflag:$0x1] =	stream.indirect.gather [hbm4b:s26+s6], $0x40, s6, s6, $0xb8;
	[tilespmem:$0x8200] =	vst v63  }
0x9d: {  	_ = 	snop  }
0x9e: {  	[tilespmem:s10], [sflag:$0x1] =	stream.indirect.gather [hbm4b:s26+s6], $0x40, s9, s6, $0xb8;
	[tilespmem:$0x8200] =	vst v63  }
0x9f: {  	_ = 	snop  }
0xa0: {  	[tilespmem:s12], [sflag:$0x1] =	stream.indirect.gather [hbm4b:s26+s6], $0x40, s11, s6, $0xb8;
	[tilespmem:$0x8200] =	vst v63  }
0xa1: {  	_ =	swait.ge [sflag:s13], $0x2000  }
0xa2: {  	[sflag:s13] =	ssyncset.done $0x0  }
0xa3: {  	[sflag:s13] =	ssyncadd.s32 $0xFFFFE000  }
0xa4: {  	_ =	swait.ge [sflag:s13], $0x2000  }
0xa5: {  	[sflag:s13] =	ssyncset.done $0x0  }
0xa6: {  	s28 =	ssub.s32 $0x2, s28;
	[sflag:s13] =	ssyncadd.s32 $0xFFFFE000  }
0xa7: {  	s29 =	sshrl.u32 s28, $0x1;
	_ =	swait.ge [sflag:s13], $0x2000  }
0xa8: {  	s29 =	ssub.s32 s28, s29;
	[sflag:s13] =	ssyncset.done $0x0  }
0xa9: {  	s29 =	smax.u32 s29, $0x1;
	[sflag:s13] =	ssyncadd.s32 $0xFFFFE000  }
0xaa: {  	p0 =	sne.s32 s29, $0x1;
	_ =	swait.ge [sflag:s13], $0x2000  }
.Ltmp0:
0xab: {  	[sflag:s13] =	ssyncset.done $0x0;
	(pc) =	sbr.rel @!p0 .LBB2_2-.Ltmp0, $4  }
0xac: {  	s28 =	sadd.s32 $0x42E00, s30;
	[sflag:s13] =	ssyncadd.s32 $0xFFFFE000  }
0xad: {  	[hbm4b:s28+s2] =	stream.linear.scatter [tilespmem:s7], [sflag:$0x2], $0x8000, $0x38;
	[tilespmem:$0x8200] =	vst v63  }
0xae: {  	_ =	swait.ge [sflag:s3], $0x8000  }
0xaf: {  	s29 =	sadd.s32 $0xFFFFFFFF, s29;
	[sflag:s3] =	ssyncset.done $0x0  }
.LBB2_1:
0xb0: {  	p0 =	sne.s32 s29, $0x1;
	s29 =	sadd.s32 $0xFFFFFFFF, s29;
	[sflag:s3] =	ssyncadd.s32 $0xFFFF8000  }
0xb1: {  	[tilespmem:s2], [sflag:$0x2] =	stream.linear.gather [hbm4b:s4+s2], $0x200, $0x38;
	[tilespmem:$0x8200] =	vst v63  }
0xb2: {  	_ =	swait.ge [sflag:s3], $0x200  }
0xb3: {  	[sflag:s3] =	ssyncset.done $0x0  }
0xb4: {  	[sflag:s3] =	ssyncadd.s32 $0xFFFFFE00  }
0xb5: {  	[tilespmem:s7], [sflag:$0x1] =	stream.indirect.gather [hbm4b:s5+s6], $0x40, s2, s6, $0xb8;
	[tilespmem:$0x8200] =	vst v63  }
0xb6: {  	_ = 	snop  }
0xb7: {  	[tilespmem:s8], [sflag:$0x1] =	stream.indirect.gather [hbm4b:s5+s6], $0x40, s6, s6, $0xb8;
	[tilespmem:$0x8200] =	vst v63  }
0xb8: {  	_ = 	snop  }
0xb9: {  	[tilespmem:s10], [sflag:$0x1] =	stream.indirect.gather [hbm4b:s5+s6], $0x40, s9, s6, $0xb8;
	[tilespmem:$0x8200] =	vst v63  }
0xba: {  	_ = 	snop  }
0xbb: {  	[tilespmem:s12], [sflag:$0x1] =	stream.indirect.gather [hbm4b:s5+s6], $0x40, s11, s6, $0xb8;
	[tilespmem:$0x8200] =	vst v63  }
0xbc: {  	_ =	swait.ge [sflag:s13], $0x2000  }
0xbd: {  	[sflag:s13] =	ssyncset.done $0x0  }
0xbe: {  	[sflag:s13] =	ssyncadd.s32 $0xFFFFE000  }
0xbf: {  	_ =	swait.ge [sflag:s13], $0x2000  }
0xc0: {  	[sflag:s13] =	ssyncset.done $0x0  }
0xc1: {  	[sflag:s13] =	ssyncadd.s32 $0xFFFFE000  }
0xc2: {  	_ =	swait.ge [sflag:s13], $0x2000  }
0xc3: {  	[sflag:s13] =	ssyncset.done $0x0  }
0xc4: {  	[sflag:s13] =	ssyncadd.s32 $0xFFFFE000  }
0xc5: {  	_ =	swait.ge [sflag:s13], $0x2000  }
0xc6: {  	[sflag:s13] =	ssyncset.done $0x0  }
0xc7: {  	[sflag:s13] =	ssyncadd.s32 $0xFFFFE000  }
0xc8: {  	[hbm4b:s14+s2] =	stream.linear.scatter [tilespmem:s7], [sflag:$0x2], $0x8000, $0x38;
	[tilespmem:$0x8200] =	vst v63  }
0xc9: {  	_ =	swait.ge [sflag:s3], $0x8000  }
0xca: {  	[sflag:s3] =	ssyncset.done $0x0  }
0xcb: {  	[sflag:s3] =	ssyncadd.s32 $0xFFFF8000  }
0xcc: {  	[tilespmem:s2], [sflag:$0x2] =	stream.linear.gather [hbm4b:s15+s2], $0x200, $0x38;
	[tilespmem:$0x8200] =	vst v63  }
0xcd: {  	_ =	swait.ge [sflag:s3], $0x200  }
0xce: {  	[sflag:s3] =	ssyncset.done $0x0  }
0xcf: {  	[sflag:s3] =	ssyncadd.s32 $0xFFFFFE00  }
0xd0: {  	[tilespmem:s7], [sflag:$0x1] =	stream.indirect.gather [hbm4b:s16+s6], $0x40, s2, s6, $0xb8;
	[tilespmem:$0x8200] =	vst v63  }
0xd1: {  	_ = 	snop  }
0xd2: {  	[tilespmem:s8], [sflag:$0x1] =	stream.indirect.gather [hbm4b:s16+s6], $0x40, s6, s6, $0xb8;
	[tilespmem:$0x8200] =	vst v63  }
0xd3: {  	_ = 	snop  }
0xd4: {  	[tilespmem:s10], [sflag:$0x1] =	stream.indirect.gather [hbm4b:s16+s6], $0x40, s9, s6, $0xb8;
	[tilespmem:$0x8200] =	vst v63  }
0xd5: {  	_ = 	snop  }
0xd6: {  	[tilespmem:s12], [sflag:$0x1] =	stream.indirect.gather [hbm4b:s16+s6], $0x40, s11, s6, $0xb8;
	[tilespmem:$0x8200] =	vst v63  }
0xd7: {  	_ =	swait.ge [sflag:s13], $0x2000  }
0xd8: {  	[sflag:s13] =	ssyncset.done $0x0  }
0xd9: {  	[sflag:s13] =	ssyncadd.s32 $0xFFFFE000  }
0xda: {  	_ =	swait.ge [sflag:s13], $0x2000  }
0xdb: {  	[sflag:s13] =	ssyncset.done $0x0  }
0xdc: {  	[sflag:s13] =	ssyncadd.s32 $0xFFFFE000  }
0xdd: {  	_ =	swait.ge [sflag:s13], $0x2000  }
0xde: {  	[sflag:s13] =	ssyncset.done $0x0  }
0xdf: {  	[sflag:s13] =	ssyncadd.s32 $0xFFFFE000  }
0xe0: {  	_ =	swait.ge [sflag:s13], $0x2000  }
0xe1: {  	[sflag:s13] =	ssyncset.done $0x0  }
0xe2: {  	[sflag:s13] =	ssyncadd.s32 $0xFFFFE000  }
0xe3: {  	[hbm4b:s17+s2] =	stream.linear.scatter [tilespmem:s7], [sflag:$0x2], $0x8000, $0x38;
	[tilespmem:$0x8200] =	vst v63  }
0xe4: {  	_ =	swait.ge [sflag:s3], $0x8000  }
0xe5: {  	[sflag:s3] =	ssyncset.done $0x0  }
0xe6: {  	[sflag:s3] =	ssyncadd.s32 $0xFFFF8000  }
0xe7: {  	[tilespmem:s2], [sflag:$0x2] =	stream.linear.gather [hbm4b:s18+s2], $0x200, $0x38;
	[tilespmem:$0x8200] =	vst v63  }
0xe8: {  	_ =	swait.ge [sflag:s3], $0x200  }
0xe9: {  	[sflag:s3] =	ssyncset.done $0x0  }
0xea: {  	[sflag:s3] =	ssyncadd.s32 $0xFFFFFE00  }
0xeb: {  	[tilespmem:s7], [sflag:$0x1] =	stream.indirect.gather [hbm4b:s16+s6], $0x40, s2, s6, $0xb8;
	[tilespmem:$0x8200] =	vst v63  }
0xec: {  	_ = 	snop  }
0xed: {  	[tilespmem:s8], [sflag:$0x1] =	stream.indirect.gather [hbm4b:s16+s6], $0x40, s6, s6, $0xb8;
	[tilespmem:$0x8200] =	vst v63  }
0xee: {  	_ = 	snop  }
0xef: {  	[tilespmem:s10], [sflag:$0x1] =	stream.indirect.gather [hbm4b:s16+s6], $0x40, s9, s6, $0xb8;
	[tilespmem:$0x8200] =	vst v63  }
0xf0: {  	_ = 	snop  }
0xf1: {  	[tilespmem:s12], [sflag:$0x1] =	stream.indirect.gather [hbm4b:s16+s6], $0x40, s11, s6, $0xb8;
	[tilespmem:$0x8200] =	vst v63  }
0xf2: {  	_ =	swait.ge [sflag:s13], $0x2000  }
0xf3: {  	[sflag:s13] =	ssyncset.done $0x0  }
0xf4: {  	[sflag:s13] =	ssyncadd.s32 $0xFFFFE000  }
0xf5: {  	_ =	swait.ge [sflag:s13], $0x2000  }
0xf6: {  	[sflag:s13] =	ssyncset.done $0x0  }
0xf7: {  	[sflag:s13] =	ssyncadd.s32 $0xFFFFE000  }
0xf8: {  	_ =	swait.ge [sflag:s13], $0x2000  }
0xf9: {  	[sflag:s13] =	ssyncset.done $0x0  }
0xfa: {  	[sflag:s13] =	ssyncadd.s32 $0xFFFFE000  }
0xfb: {  	_ =	swait.ge [sflag:s13], $0x2000  }
0xfc: {  	[sflag:s13] =	ssyncset.done $0x0  }
0xfd: {  	[sflag:s13] =	ssyncadd.s32 $0xFFFFE000  }
0xfe: {  	[hbm4b:s19+s2] =	stream.linear.scatter [tilespmem:s7], [sflag:$0x2], $0x8000, $0x38;
	[tilespmem:$0x8200] =	vst v63  }
0xff: {  	_ =	swait.ge [sflag:s3], $0x8000  }
0x100: {  	[sflag:s3] =	ssyncset.done $0x0  }
0x101: {  	[sflag:s3] =	ssyncadd.s32 $0xFFFF8000  }
0x102: {  	[tilespmem:s2], [sflag:$0x2] =	stream.linear.gather [hbm4b:s20+s2], $0x200, $0x38;
	[tilespmem:$0x8200] =	vst v63  }
0x103: {  	_ =	swait.ge [sflag:s3], $0x200  }
0x104: {  	[sflag:s3] =	ssyncset.done $0x0  }
0x105: {  	[sflag:s3] =	ssyncadd.s32 $0xFFFFFE00  }
0x106: {  	[tilespmem:s7], [sflag:$0x1] =	stream.indirect.gather [hbm4b:s5+s6], $0x40, s2, s6, $0xb8;
	[tilespmem:$0x8200] =	vst v63  }
0x107: {  	_ = 	snop  }
0x108: {  	[tilespmem:s8], [sflag:$0x1] =	stream.indirect.gather [hbm4b:s5+s6], $0x40, s6, s6, $0xb8;
	[tilespmem:$0x8200] =	vst v63  }
0x109: {  	_ = 	snop  }
0x10a: {  	[tilespmem:s10], [sflag:$0x1] =	stream.indirect.gather [hbm4b:s5+s6], $0x40, s9, s6, $0xb8;
	[tilespmem:$0x8200] =	vst v63  }
0x10b: {  	_ = 	snop  }
0x10c: {  	[tilespmem:s12], [sflag:$0x1] =	stream.indirect.gather [hbm4b:s5+s6], $0x40, s11, s6, $0xb8;
	[tilespmem:$0x8200] =	vst v63  }
0x10d: {  	_ =	swait.ge [sflag:s13], $0x2000  }
0x10e: {  	[sflag:s13] =	ssyncset.done $0x0  }
0x10f: {  	[sflag:s13] =	ssyncadd.s32 $0xFFFFE000  }
0x110: {  	_ =	swait.ge [sflag:s13], $0x2000  }
0x111: {  	[sflag:s13] =	ssyncset.done $0x0  }
0x112: {  	[sflag:s13] =	ssyncadd.s32 $0xFFFFE000  }
0x113: {  	_ =	swait.ge [sflag:s13], $0x2000  }
0x114: {  	[sflag:s13] =	ssyncset.done $0x0  }
0x115: {  	[sflag:s13] =	ssyncadd.s32 $0xFFFFE000  }
0x116: {  	_ =	swait.ge [sflag:s13], $0x2000  }
0x117: {  	[sflag:s13] =	ssyncset.done $0x0  }
0x118: {  	[sflag:s13] =	ssyncadd.s32 $0xFFFFE000  }
0x119: {  	[hbm4b:s21+s2] =	stream.linear.scatter [tilespmem:s7], [sflag:$0x2], $0x8000, $0x38;
	[tilespmem:$0x8200] =	vst v63  }
0x11a: {  	_ =	swait.ge [sflag:s3], $0x8000  }
0x11b: {  	[sflag:s3] =	ssyncset.done $0x0  }
0x11c: {  	[sflag:s3] =	ssyncadd.s32 $0xFFFF8000  }
0x11d: {  	[tilespmem:s2], [sflag:$0x2] =	stream.linear.gather [hbm4b:s22+s2], $0x200, $0x38;
	[tilespmem:$0x8200] =	vst v63  }
0x11e: {  	_ =	swait.ge [sflag:s3], $0x200  }
0x11f: {  	[sflag:s3] =	ssyncset.done $0x0  }
0x120: {  	[sflag:s3] =	ssyncadd.s32 $0xFFFFFE00  }
0x121: {  	[tilespmem:s7], [sflag:$0x1] =	stream.indirect.gather [hbm4b:s23+s6], $0x40, s2, s6, $0xb8;
	[tilespmem:$0x8200] =	vst v63  }
0x122: {  	_ = 	snop  }
0x123: {  	[tilespmem:s8], [sflag:$0x1] =	stream.indirect.gather [hbm4b:s23+s6], $0x40, s6, s6, $0xb8;
	[tilespmem:$0x8200] =	vst v63  }
0x124: {  	_ = 	snop  }
0x125: {  	[tilespmem:s10], [sflag:$0x1] =	stream.indirect.gather [hbm4b:s23+s6], $0x40, s9, s6, $0xb8;
	[tilespmem:$0x8200] =	vst v63  }
0x126: {  	_ = 	snop  }
0x127: {  	[tilespmem:s12], [sflag:$0x1] =	stream.indirect.gather [hbm4b:s23+s6], $0x40, s11, s6, $0xb8;
	[tilespmem:$0x8200] =	vst v63  }
0x128: {  	_ =	swait.ge [sflag:s13], $0x2000  }
0x129: {  	[sflag:s13] =	ssyncset.done $0x0  }
0x12a: {  	[sflag:s13] =	ssyncadd.s32 $0xFFFFE000  }
0x12b: {  	_ =	swait.ge [sflag:s13], $0x2000  }
0x12c: {  	[sflag:s13] =	ssyncset.done $0x0  }
0x12d: {  	[sflag:s13] =	ssyncadd.s32 $0xFFFFE000  }
0x12e: {  	_ =	swait.ge [sflag:s13], $0x2000  }
0x12f: {  	[sflag:s13] =	ssyncset.done $0x0  }
0x130: {  	[sflag:s13] =	ssyncadd.s32 $0xFFFFE000  }
0x131: {  	_ =	swait.ge [sflag:s13], $0x2000  }
0x132: {  	[sflag:s13] =	ssyncset.done $0x0  }
0x133: {  	[sflag:s13] =	ssyncadd.s32 $0xFFFFE000  }
0x134: {  	[hbm4b:s24+s2] =	stream.linear.scatter [tilespmem:s7], [sflag:$0x2], $0x8000, $0x38;
	[tilespmem:$0x8200] =	vst v63  }
0x135: {  	_ =	swait.ge [sflag:s3], $0x8000  }
0x136: {  	[sflag:s3] =	ssyncset.done $0x0  }
0x137: {  	[sflag:s3] =	ssyncadd.s32 $0xFFFF8000  }
0x138: {  	[tilespmem:s2], [sflag:$0x2] =	stream.linear.gather [hbm4b:s25+s2], $0x200, $0x38;
	[tilespmem:$0x8200] =	vst v63  }
0x139: {  	_ =	swait.ge [sflag:s3], $0x200  }
0x13a: {  	[sflag:s3] =	ssyncset.done $0x0  }
0x13b: {  	[sflag:s3] =	ssyncadd.s32 $0xFFFFFE00  }
0x13c: {  	[tilespmem:s7], [sflag:$0x1] =	stream.indirect.gather [hbm4b:s26+s6], $0x40, s2, s6, $0xb8;
	[tilespmem:$0x8200] =	vst v63  }
0x13d: {  	_ = 	snop  }
0x13e: {  	[tilespmem:s8], [sflag:$0x1] =	stream.indirect.gather [hbm4b:s26+s6], $0x40, s6, s6, $0xb8;
	[tilespmem:$0x8200] =	vst v63  }
0x13f: {  	_ = 	snop  }
0x140: {  	[tilespmem:s10], [sflag:$0x1] =	stream.indirect.gather [hbm4b:s26+s6], $0x40, s9, s6, $0xb8;
	[tilespmem:$0x8200] =	vst v63  }
0x141: {  	_ = 	snop  }
0x142: {  	[tilespmem:s12], [sflag:$0x1] =	stream.indirect.gather [hbm4b:s26+s6], $0x40, s11, s6, $0xb8;
	[tilespmem:$0x8200] =	vst v63  }
0x143: {  	_ =	swait.ge [sflag:s13], $0x2000  }
0x144: {  	[sflag:s13] =	ssyncset.done $0x0  }
0x145: {  	[sflag:s13] =	ssyncadd.s32 $0xFFFFE000  }
0x146: {  	_ =	swait.ge [sflag:s13], $0x2000  }
0x147: {  	[sflag:s13] =	ssyncset.done $0x0  }
0x148: {  	[sflag:s13] =	ssyncadd.s32 $0xFFFFE000  }
0x149: {  	_ =	swait.ge [sflag:s13], $0x2000  }
0x14a: {  	[sflag:s13] =	ssyncset.done $0x0  }
0x14b: {  	[sflag:s13] =	ssyncadd.s32 $0xFFFFE000  }
0x14c: {  	_ =	swait.ge [sflag:s13], $0x2000  }
.Ltmp1:
0x14d: {  	[sflag:s13] =	ssyncset.done $0x0;
	(pc) =	sbr.rel @p0 .LBB2_1-.Ltmp1, $4  }
0x14e: {  	[sflag:s13] =	ssyncadd.s32 $0xFFFFE000  }
0x14f: {  	[hbm4b:s28+s2] =	stream.linear.scatter [tilespmem:s7], [sflag:$0x2], $0x8000, $0x38;
	[tilespmem:$0x8200] =	vst v63  }
0x150: {  	_ =	swait.ge [sflag:s3], $0x8000  }
0x151: {  	[sflag:s3] =	ssyncset.done $0x0  }
.LBB2_2:
0x152: {  	[sflag:s3] =	ssyncadd.s32 $0xFFFF8000  }
0x153: {  	_ =	sfence.sel $0x180000  }
0x154: {  	[bflag:$0x0] =	sbarrier.arrive $0xFFFF  }
0x155: {  	p0 =	sne.s32 s0, $0x0;
	_ =	strace $0x90000047  }
0x156: {  	s0 =	sadd.s32 @!p0 $0x100000, s1;
	[bflag:$0x2] =	sbarrier.arrive $0xFFFF  }
0x157: {  	[sflag:s0] =	ssyncadd.tile.s32 @!p0 $0x1;
	_ =	shalt  }
.Lfunc_end2:
_tile_overlayer_lowered:
.L_overlay_start_2:
0x158: {  	(tag) =	ssettag $0x2  }
0x159: {  	s0 =	rddreg [dreg:$0x0];
	s2 =	stileid.u32  }
0x15a: {  	s1 =	rddreg [dreg:$0x1];
	p0 =	sne.s32 s2, $0x0  }
0x15b: {  	s3 =	rddreg [dreg:$0x2];
	[bflag:$0x3] =	sbarrier.arrive $0xFFFF;
	s2 =	simm.s32 @!p0 $0x1C02  }
0x15c: {  	[timem:s3], [sflag:s2] =	dma.local @!p0 [hbm:s0], s1  }
0x15d: {  	s0 =	simm.s32 @!p0 $0x2  }
0x15e: {  	_ =	swait.ge @!p0 [sflag:s0], s1  }
0x15f: {  	s1 =	ssub.s32 @!p0 $0x0, s1;
	[sflag:s0] =	ssyncset.done @!p0 $0x0  }
0x160: {  	[sflag:s0] =	ssyncadd.s32 @!p0 s1  }
0x161: {  	[bflag:$0x3] =	sbarrier.arrive $0xFFFF  }
0x162: {  	_ =	shalt  }

</sc_bundles>
